<compile_context>
chip_gen: v7x
topology: tpu7x:2x2x1
jax: 0.10.2.dev20260603
libtpu: 0.0.44.dev20260713+nightly
codegen_flags: <defaults>
</compile_context>

<pallas_src>
import functools

import jax
import jax.numpy as jnp
from jax import lax
from jax.experimental import pallas as pl
from jax.experimental.pallas import tpu as pltpu
from jax.experimental.pallas import tpu_sc as plsc

B, S, D, E, C = 4, 2048, 4096, 64, 32

_S_TILE = 512
_DP_ROWS = 16

_NC, _NS, _L = 2, 16, 16
_NW = _NC * _NS
_PAIR = 2
_RPW = _PAIR * E // _NW
_CHUNKS = S // _L


def _gate_body(x_ref, r_ref, out_ref):
    xt = x_ref[0]
    logits = jax.lax.dot_general(
        r_ref[...], xt, (((1,), (1,)), ((), ())),
        preferred_element_type=jnp.float32)
    m = jnp.max(logits, axis=0, keepdims=True)
    u = jnp.exp(logits - m)
    z = jnp.sum(u, axis=0, keepdims=True)
    out_ref[0] = u / z


def _sc_topk(aff, gat, ind, row_v, gbuf, ibuf):
    wid = lax.axis_index("s") * _NC + lax.axis_index("c")
    base = wid * _RPW
    iota = lax.iota(jnp.int32, _L)
    neg_inf = jnp.float32(-jnp.inf)

    def _row(r, c):
        row = base + r
        pltpu.sync_copy(aff.at[pl.ds(pl.multiple_of(row * S, S), S)], row_v)

        def _chunk(j, carry):
            _, _, clo_v, _ = carry
            v = row_v[pl.ds(j * _L, _L)]
            rv, ri = plsc.sort_key_val(v, iota + j * _L, descending=True)

            def _merge(args):
                hi_v, hi_i, lo_v, lo_i = args
                m1 = lo_v < rv
                rh, rhi = plsc.sort_key_val(jnp.where(m1, rv, lo_v),
                                            jnp.where(m1, ri, lo_i),
                                            descending=True)
                m2 = hi_v < rh
                hi_n, hi_ni = plsc.sort_key_val(jnp.where(m2, rh, hi_v),
                                                jnp.where(m2, rhi, hi_i))
                lo_n, lo_ni = plsc.sort_key_val(jnp.where(m2, hi_v, rh),
                                                jnp.where(m2, hi_i, rhi))
                return hi_n, hi_ni, lo_n, lo_ni

            return lax.cond(rv[0] > clo_v[0], _merge, lambda a: a, carry)

        init = (jnp.full((_L,), neg_inf), jnp.zeros((_L,), jnp.int32),
                jnp.full((_L,), neg_inf), jnp.zeros((_L,), jnp.int32))
        hi_v, hi_i, lo_v, lo_i = lax.fori_loop(0, _CHUNKS, _chunk, init,
                                               unroll=4)

        g_hi, i_hi = plsc.sort_key_val(hi_v, hi_i, descending=True)
        g_lo, i_lo = plsc.sort_key_val(lo_v, lo_i, descending=True)
        gbuf[pl.ds(0, _L)] = g_hi
        gbuf[pl.ds(_L, _L)] = g_lo
        ibuf[pl.ds(0, _L)] = i_hi
        ibuf[pl.ds(_L, _L)] = i_lo
        goff = pl.multiple_of(row * C, C)
        pltpu.sync_copy(gbuf, gat.at[pl.ds(goff, C)])
        pltpu.sync_copy(ibuf, ind.at[pl.ds(goff, C)])
        return c

    lax.fori_loop(0, _RPW, _row, 0)


def _dispatch_body(i_ref, d_ref):
    idx = i_ref[...]
    d_ref[...] = (
        idx[:, :, None]
        == jax.lax.broadcasted_iota(jnp.int32, (_DP_ROWS, C, S), 2)
    ).astype(jnp.float32)


@jax.jit
def kernel(x, router):
    sc_call = pl.kernel(
        _sc_topk,
        out_type=[
            jax.ShapeDtypeStruct((_PAIR * E * C,), jnp.float32),
            jax.ShapeDtypeStruct((_PAIR * E * C,), jnp.int32),
        ],
        mesh=plsc.VectorSubcoreMesh(core_axis_name="c", subcore_axis_name="s"),
        compiler_params=pltpu.CompilerParams(needs_layout_passes=False),
        scratch_types=[
            pltpu.VMEM((S,), jnp.float32),
            pltpu.VMEM((C,), jnp.float32),
            pltpu.VMEM((C,), jnp.int32),
        ],
    )

    gats, inds = [], []
    for p in range(B // _PAIR):
        aff_p = pl.pallas_call(
            _gate_body,
            grid=(_PAIR, S // _S_TILE),
            in_specs=[
                pl.BlockSpec((1, _S_TILE, D),
                             lambda bb, s, p=p: (p * _PAIR + bb, s, 0)),
                pl.BlockSpec((E, D), lambda bb, s: (0, 0)),
            ],
            out_specs=pl.BlockSpec((1, E, _S_TILE), lambda bb, s: (bb, 0, s)),
            out_shape=jax.ShapeDtypeStruct((_PAIR, E, S), jnp.float32),
        )(x, router)
        g_p, i_p = sc_call(aff_p.reshape(_PAIR * E * S))
        gats.append(g_p)
        inds.append(i_p)

    gating = jnp.concatenate(gats)
    index = jnp.concatenate(inds)

    index2 = index.reshape(B * E, C)
    dispatch = pl.pallas_call(
        _dispatch_body,
        grid=(B * E // _DP_ROWS,),
        in_specs=[pl.BlockSpec((_DP_ROWS, C), lambda i: (i, 0))],
        out_specs=pl.BlockSpec((_DP_ROWS, C, S), lambda i: (i, 0, 0)),
        out_shape=jax.ShapeDtypeStruct((B * E, C, S), jnp.float32),
    )(index2)

    return (gating.reshape(B, E, C),
            dispatch.reshape(B, E, C, S),
            index.reshape(B, E, C))

# --- scband reference (transcript-rebuilt; emitter-appended) ---
"""Pipeline reference for scband-expert-choice-mo-egate-64003602645070 (READ-ONLY COPY).

The authoritative reference and input builder live on the scoring server;
editing this copy changes nothing except your own understanding.
"""

import jax, jax.numpy as jnp
import numpy as np
import math

B, S, D, E, C = 4, 2048, 4096, 64, 32

def setup_inputs(seed: int = 0) -> dict:
    key = jax.random.key(seed)
    kx, kr = jax.random.split(key)
    x = jax.random.normal(kx, (B, S, D), dtype=jnp.float32)
    # torch.nn.init.kaiming_uniform_ on (E, D): fan_in = D, gain = sqrt(2), bound = sqrt(6/fan_in)
    bound = math.sqrt(6.0 / D)
    router = jax.random.uniform(kr, (E, D), minval=-bound, maxval=bound, dtype=jnp.float32)
    return {"x": x, "router": router}

def reference(x, router):
    # logits = einsum('bsd,de->bse', x, router) in the original; router is (E, D),
    # so the intended contraction is over D: logits[b,s,e] = sum_d x[b,s,d] * router[e,d]
    logits = jnp.einsum('bsd,ed->bse', x, router)
    affinity = jax.nn.softmax(logits, axis=-1)
    affinity_t = jnp.swapaxes(affinity, 1, 2)  # (B, E, S)
    gating, index = jax.lax.top_k(affinity_t, C)  # (B, E, C) each
    dispatch = jax.nn.one_hot(index, S, dtype=jnp.float32)  # (B, E, C, S)
    return (gating, dispatch, index)

if __name__ == "__main__":
    import jax
    _d = setup_inputs()
    print(jax.jit(kernel)(*tuple(_d.values())))

</pallas_src>

<mosaic_0001>
#map = affine_map<(d0, d1) -> (0)>
module attributes {stable_mosaic.version = 14 : i64} {
  func.func @_sc_topk(%arg0: i32, %arg1: i32, %arg2: memref<262144xf32, #tpu.memory_space<hbm>>, %arg3: memref<4096xf32, #tpu.memory_space<hbm>>, %arg4: memref<4096xi32, #tpu.memory_space<hbm>>, %arg5: memref<2048xf32, #tpu.memory_space<vmem>>, %arg6: memref<32xf32, #tpu.memory_space<vmem>>, %arg7: memref<32xi32, #tpu.memory_space<vmem>>) attributes {dimension_semantics = [#tpu.dimension_semantics<core_parallel>, #tpu.dimension_semantics<subcore_parallel>], iteration_bounds = array<i64: 2, 16>, scalar_prefetch = 0 : i64, scratch_operands = 3 : i64, tpu.core_type = #tpu.core_type<sc_vector_subcore>, window_params = [{transform_indices = #map}, {transform_indices = #map}, {transform_indices = #map}]} {
    %mul3A = arith.constant 2 : i32
    %mul3A_0 = arith.muli %arg1, %mul3A : i32
    %add3A = arith.addi %mul3A_0, %arg0 : i32
    %mul3A_1 = arith.constant 4 : i32
    %mul3A_2 = arith.muli %add3A, %mul3A_1 : i32
    %iota3A = tpu.iota {dimensions = array<i32: 0>} : vector<16xi32>
    %scan3A = arith.constant 0 : i32
    %scan3A_3 = arith.constant 0xFF800000 : f32
    %scan3A_4 = arith.constant 0 : i32
    %scan3A_5 = arith.constant 4 : i32
    %scan3A_6 = arith.addi %scan3A_4, %scan3A_5 : i32
    %scan3A_7 = arith.constant 1 : i32
    scf.for %scan3A_9 = %scan3A_4 to %scan3A_6 step %scan3A_7  : i32 {
      %add3A_10 = arith.addi %mul3A_2, %scan3A_9 : i32
      %mul3A_11 = arith.constant 2048 : i32
      %mul3A_12 = arith.muli %add3A_10, %mul3A_11 : i32
      %multiple_of3A = tpu.assume_multiple %mul3A_12, 2048 : i32
      "tpu.region"() ({
        %run_scoped3A = tpu.sem_alloc : memref<!tpu.dma_semaphore, #tpu.memory_space<semaphore_mem>>
        %dma_start3A = tpu.memref_slice %arg2[%multiple_of3A] : memref<262144xf32, #tpu.memory_space<hbm>> -> memref<2048xf32, #tpu.memory_space<hbm>>
        %dma_start3A_41 = tpu.memref_slice %arg2[%multiple_of3A] : memref<262144xf32, #tpu.memory_space<hbm>> -> memref<2048xf32, #tpu.memory_space<hbm>>
        tpu.enqueue_dma source(%dma_start3A_41 : memref<2048xf32, #tpu.memory_space<hbm>>) target(%arg5 : memref<2048xf32, #tpu.memory_space<vmem>>) target_semaphore(%run_scoped3A : memref<!tpu.dma_semaphore, #tpu.memory_space<semaphore_mem>>)
        %dma_wait3A = tpu.memref_slice %arg2[%multiple_of3A] : memref<262144xf32, #tpu.memory_space<hbm>> -> memref<2048xf32, #tpu.memory_space<hbm>>
        %dma_wait3A_42 = tpu.memref_slice %arg2[%multiple_of3A] : memref<262144xf32, #tpu.memory_space<hbm>> -> memref<2048xf32, #tpu.memory_space<hbm>>
        tpu.wait_dma2 semaphore(%run_scoped3A : memref<!tpu.dma_semaphore, #tpu.memory_space<semaphore_mem>>) src(%dma_wait3A_42 : memref<2048xf32, #tpu.memory_space<hbm>>) dst(%arg5 : memref<2048xf32, #tpu.memory_space<vmem>>)
        tpu.yield
      }) : () -> ()
      %broadcast_in_dim3A = vector.broadcast %scan3A_3 : f32 to vector<16xf32>
      %broadcast_in_dim3A_13 = arith.constant 0 : i32
      %broadcast_in_dim3A_14 = vector.broadcast %broadcast_in_dim3A_13 : i32 to vector<16xi32>
      %broadcast_in_dim3A_15 = vector.broadcast %scan3A_3 : f32 to vector<16xf32>
      %broadcast_in_dim3A_16 = arith.constant 0 : i32
      %broadcast_in_dim3A_17 = vector.broadcast %broadcast_in_dim3A_16 : i32 to vector<16xi32>
      %scan3A_18 = arith.constant 0 : i32
      %scan3A_19 = arith.constant 128 : i32
      %scan3A_20 = arith.addi %scan3A_18, %scan3A_19 : i32
      %scan3A_21 = arith.constant 4 : i32
      %scan3A_22:4 = scf.for %scan3A_41 = %scan3A_18 to %scan3A_20 step %scan3A_21 iter_args(%scan3A_42 = %broadcast_in_dim3A, %scan3A_43 = %broadcast_in_dim3A_14, %scan3A_44 = %broadcast_in_dim3A_15, %scan3A_45 = %broadcast_in_dim3A_17) -> (vector<16xf32>, vector<16xi32>, vector<16xf32>, vector<16xi32>)  : i32 {
        %mul3A_46 = arith.constant 16 : i32
        %mul3A_47 = arith.muli %scan3A_41, %mul3A_46 : i32
        %get3A = arith.index_cast %mul3A_47 : i32 to index
        %get3A_48 = tpu.vector_load %arg5[%get3A] {strides = array<i32>} : memref<2048xf32, #tpu.memory_space<vmem>>, vector<16xf32>,
        %mul3A_49 = arith.constant 16 : i32
        %mul3A_50 = arith.muli %scan3A_41, %mul3A_49 : i32
        %add3A_51 = vector.broadcast %mul3A_50 : i32 to vector<16xi32>
        %add3A_52 = arith.addi %iota3A, %add3A_51 : vector<16xi32>
        %masked_sort3A_53 = arith.constant dense<true> : vector<16xi1>
        %masked_sort3A_54, %masked_sort3A_55, %masked_sort3A_56 = tpu.sort %get3A_48, %add3A_52 masked %masked_sort3A_53 {descending = true} : (vector<16xf32>, vector<16xi32>, vector<16xi1>) -> (vector<16xi1>, vector<16xf32>, vector<16xi32>)
        %slice3A = vector.extract_strided_slice %masked_sort3A_55 {offsets = [0], sizes = [1], strides = [1]} : vector<16xf32> to vector<1xf32>
        %squeeze3A = vector.extract %slice3A[0] : f32 from vector<1xf32>
        %slice3A_57 = vector.extract_strided_slice %scan3A_44 {offsets = [0], sizes = [1], strides = [1]} : vector<16xf32> to vector<1xf32>
        %squeeze3A_58 = vector.extract %slice3A_57[0] : f32 from vector<1xf32>
        %gt3A = arith.cmpf ogt, %squeeze3A, %squeeze3A_58 : f32
        %convert_element_type3A = arith.extui %gt3A : i1 to i32
        %cond3A = arith.constant 0 : i32
        %cond3A_59 = arith.cmpi ne, %convert_element_type3A, %cond3A : i32
        %cond3A_60:4 = scf.if %cond3A_59 -> (vector<16xf32>, vector<16xi32>, vector<16xf32>, vector<16xi32>) {
          %lt3A = arith.cmpf olt, %scan3A_44, %masked_sort3A_55 : vector<16xf32>
          %select_n3A = arith.select %lt3A, %masked_sort3A_55, %scan3A_44 : vector<16xi1>, vector<16xf32>
          %select_n3A_130 = arith.select %lt3A, %masked_sort3A_56, %scan3A_45 : vector<16xi1>, vector<16xi32>
          %masked_sort3A_131 = arith.constant dense<true> : vector<16xi1>
          %masked_sort3A_132, %masked_sort3A_133, %masked_sort3A_134 = tpu.sort %select_n3A, %select_n3A_130 masked %masked_sort3A_131 {descending = true} : (vector<16xf32>, vector<16xi32>, vector<16xi1>) -> (vector<16xi1>, vector<16xf32>, vector<16xi32>)
          %lt3A_135 = arith.cmpf olt, %scan3A_42, %masked_sort3A_133 : vector<16xf32>
          %select_n3A_136 = arith.select %lt3A_135, %masked_sort3A_133, %scan3A_42 : vector<16xi1>, vector<16xf32>
          %select_n3A_137 = arith.select %lt3A_135, %masked_sort3A_134, %scan3A_43 : vector<16xi1>, vector<16xi32>
          %masked_sort3A_138 = arith.constant dense<true> : vector<16xi1>
          %masked_sort3A_139, %masked_sort3A_140, %masked_sort3A_141 = tpu.sort %select_n3A_136, %select_n3A_137 masked %masked_sort3A_138 : (vector<16xf32>, vector<16xi32>, vector<16xi1>) -> (vector<16xi1>, vector<16xf32>, vector<16xi32>)
          %select_n3A_142 = arith.select %lt3A_135, %scan3A_42, %masked_sort3A_133 : vector<16xi1>, vector<16xf32>
          %select_n3A_143 = arith.select %lt3A_135, %scan3A_43, %masked_sort3A_134 : vector<16xi1>, vector<16xi32>
          %masked_sort3A_144 = arith.constant dense<true> : vector<16xi1>
          %masked_sort3A_145, %masked_sort3A_146, %masked_sort3A_147 = tpu.sort %select_n3A_142, %select_n3A_143 masked %masked_sort3A_144 : (vector<16xf32>, vector<16xi32>, vector<16xi1>) -> (vector<16xi1>, vector<16xf32>, vector<16xi32>)
          scf.yield %masked_sort3A_140, %masked_sort3A_141, %masked_sort3A_146, %masked_sort3A_147 : vector<16xf32>, vector<16xi32>, vector<16xf32>, vector<16xi32>
        } else {
          scf.yield %scan3A_42, %scan3A_43, %scan3A_44, %scan3A_45 : vector<16xf32>, vector<16xi32>, vector<16xf32>, vector<16xi32>
        }
        %scan3A_61 = arith.constant 1 : i32
        %scan3A_62 = arith.addi %scan3A_41, %scan3A_61 : i32
        %mul3A_63 = arith.constant 16 : i32
        %mul3A_64 = arith.muli %scan3A_62, %mul3A_63 : i32
        %get3A_65 = arith.index_cast %mul3A_64 : i32 to index
        %get3A_66 = tpu.vector_load %arg5[%get3A_65] {strides = array<i32>} : memref<2048xf32, #tpu.memory_space<vmem>>, vector<16xf32>,
        %mul3A_67 = arith.constant 16 : i32
        %mul3A_68 = arith.muli %scan3A_62, %mul3A_67 : i32
        %add3A_69 = vector.broadcast %mul3A_68 : i32 to vector<16xi32>
        %add3A_70 = arith.addi %iota3A, %add3A_69 : vector<16xi32>
        %masked_sort3A_71 = arith.constant dense<true> : vector<16xi1>
        %masked_sort3A_72, %masked_sort3A_73, %masked_sort3A_74 = tpu.sort %get3A_66, %add3A_70 masked %masked_sort3A_71 {descending = true} : (vector<16xf32>, vector<16xi32>, vector<16xi1>) -> (vector<16xi1>, vector<16xf32>, vector<16xi32>)
        %slice3A_75 = vector.extract_strided_slice %masked_sort3A_73 {offsets = [0], sizes = [1], strides = [1]} : vector<16xf32> to vector<1xf32>
        %squeeze3A_76 = vector.extract %slice3A_75[0] : f32 from vector<1xf32>
        %slice3A_77 = vector.extract_strided_slice %cond3A_60#2 {offsets = [0], sizes = [1], strides = [1]} : vector<16xf32> to vector<1xf32>
        %squeeze3A_78 = vector.extract %slice3A_77[0] : f32 from vector<1xf32>
        %gt3A_79 = arith.cmpf ogt, %squeeze3A_76, %squeeze3A_78 : f32
        %convert_element_type3A_80 = arith.extui %gt3A_79 : i1 to i32
        %cond3A_81 = arith.constant 0 : i32
        %cond3A_82 = arith.cmpi ne, %convert_element_type3A_80, %cond3A_81 : i32
        %cond3A_83:4 = scf.if %cond3A_82 -> (vector<16xf32>, vector<16xi32>, vector<16xf32>, vector<16xi32>) {
          %lt3A = arith.cmpf olt, %cond3A_60#2, %masked_sort3A_73 : vector<16xf32>
          %select_n3A = arith.select %lt3A, %masked_sort3A_73, %cond3A_60#2 : vector<16xi1>, vector<16xf32>
          %select_n3A_130 = arith.select %lt3A, %masked_sort3A_74, %cond3A_60#3 : vector<16xi1>, vector<16xi32>
          %masked_sort3A_131 = arith.constant dense<true> : vector<16xi1>
          %masked_sort3A_132, %masked_sort3A_133, %masked_sort3A_134 = tpu.sort %select_n3A, %select_n3A_130 masked %masked_sort3A_131 {descending = true} : (vector<16xf32>, vector<16xi32>, vector<16xi1>) -> (vector<16xi1>, vector<16xf32>, vector<16xi32>)
          %lt3A_135 = arith.cmpf olt, %cond3A_60#0, %masked_sort3A_133 : vector<16xf32>
          %select_n3A_136 = arith.select %lt3A_135, %masked_sort3A_133, %cond3A_60#0 : vector<16xi1>, vector<16xf32>
          %select_n3A_137 = arith.select %lt3A_135, %masked_sort3A_134, %cond3A_60#1 : vector<16xi1>, vector<16xi32>
          %masked_sort3A_138 = arith.constant dense<true> : vector<16xi1>
          %masked_sort3A_139, %masked_sort3A_140, %masked_sort3A_141 = tpu.sort %select_n3A_136, %select_n3A_137 masked %masked_sort3A_138 : (vector<16xf32>, vector<16xi32>, vector<16xi1>) -> (vector<16xi1>, vector<16xf32>, vector<16xi32>)
          %select_n3A_142 = arith.select %lt3A_135, %cond3A_60#0, %masked_sort3A_133 : vector<16xi1>, vector<16xf32>
          %select_n3A_143 = arith.select %lt3A_135, %cond3A_60#1, %masked_sort3A_134 : vector<16xi1>, vector<16xi32>
          %masked_sort3A_144 = arith.constant dense<true> : vector<16xi1>
          %masked_sort3A_145, %masked_sort3A_146, %masked_sort3A_147 = tpu.sort %select_n3A_142, %select_n3A_143 masked %masked_sort3A_144 : (vector<16xf32>, vector<16xi32>, vector<16xi1>) -> (vector<16xi1>, vector<16xf32>, vector<16xi32>)
          scf.yield %masked_sort3A_140, %masked_sort3A_141, %masked_sort3A_146, %masked_sort3A_147 : vector<16xf32>, vector<16xi32>, vector<16xf32>, vector<16xi32>
        } else {
          scf.yield %cond3A_60#0, %cond3A_60#1, %cond3A_60#2, %cond3A_60#3 : vector<16xf32>, vector<16xi32>, vector<16xf32>, vector<16xi32>
        }
        %scan3A_84 = arith.constant 2 : i32
        %scan3A_85 = arith.addi %scan3A_41, %scan3A_84 : i32
        %mul3A_86 = arith.constant 16 : i32
        %mul3A_87 = arith.muli %scan3A_85, %mul3A_86 : i32
        %get3A_88 = arith.index_cast %mul3A_87 : i32 to index
        %get3A_89 = tpu.vector_load %arg5[%get3A_88] {strides = array<i32>} : memref<2048xf32, #tpu.memory_space<vmem>>, vector<16xf32>,
        %mul3A_90 = arith.constant 16 : i32
        %mul3A_91 = arith.muli %scan3A_85, %mul3A_90 : i32
        %add3A_92 = vector.broadcast %mul3A_91 : i32 to vector<16xi32>
        %add3A_93 = arith.addi %iota3A, %add3A_92 : vector<16xi32>
        %masked_sort3A_94 = arith.constant dense<true> : vector<16xi1>
        %masked_sort3A_95, %masked_sort3A_96, %masked_sort3A_97 = tpu.sort %get3A_89, %add3A_93 masked %masked_sort3A_94 {descending = true} : (vector<16xf32>, vector<16xi32>, vector<16xi1>) -> (vector<16xi1>, vector<16xf32>, vector<16xi32>)
        %slice3A_98 = vector.extract_strided_slice %masked_sort3A_96 {offsets = [0], sizes = [1], strides = [1]} : vector<16xf32> to vector<1xf32>
        %squeeze3A_99 = vector.extract %slice3A_98[0] : f32 from vector<1xf32>
        %slice3A_100 = vector.extract_strided_slice %cond3A_83#2 {offsets = [0], sizes = [1], strides = [1]} : vector<16xf32> to vector<1xf32>
        %squeeze3A_101 = vector.extract %slice3A_100[0] : f32 from vector<1xf32>
        %gt3A_102 = arith.cmpf ogt, %squeeze3A_99, %squeeze3A_101 : f32
        %convert_element_type3A_103 = arith.extui %gt3A_102 : i1 to i32
        %cond3A_104 = arith.constant 0 : i32
        %cond3A_105 = arith.cmpi ne, %convert_element_type3A_103, %cond3A_104 : i32
        %cond3A_106:4 = scf.if %cond3A_105 -> (vector<16xf32>, vector<16xi32>, vector<16xf32>, vector<16xi32>) {
          %lt3A = arith.cmpf olt, %cond3A_83#2, %masked_sort3A_96 : vector<16xf32>
          %select_n3A = arith.select %lt3A, %masked_sort3A_96, %cond3A_83#2 : vector<16xi1>, vector<16xf32>
          %select_n3A_130 = arith.select %lt3A, %masked_sort3A_97, %cond3A_83#3 : vector<16xi1>, vector<16xi32>
          %masked_sort3A_131 = arith.constant dense<true> : vector<16xi1>
          %masked_sort3A_132, %masked_sort3A_133, %masked_sort3A_134 = tpu.sort %select_n3A, %select_n3A_130 masked %masked_sort3A_131 {descending = true} : (vector<16xf32>, vector<16xi32>, vector<16xi1>) -> (vector<16xi1>, vector<16xf32>, vector<16xi32>)
          %lt3A_135 = arith.cmpf olt, %cond3A_83#0, %masked_sort3A_133 : vector<16xf32>
          %select_n3A_136 = arith.select %lt3A_135, %masked_sort3A_133, %cond3A_83#0 : vector<16xi1>, vector<16xf32>
          %select_n3A_137 = arith.select %lt3A_135, %masked_sort3A_134, %cond3A_83#1 : vector<16xi1>, vector<16xi32>
          %masked_sort3A_138 = arith.constant dense<true> : vector<16xi1>
          %masked_sort3A_139, %masked_sort3A_140, %masked_sort3A_141 = tpu.sort %select_n3A_136, %select_n3A_137 masked %masked_sort3A_138 : (vector<16xf32>, vector<16xi32>, vector<16xi1>) -> (vector<16xi1>, vector<16xf32>, vector<16xi32>)
          %select_n3A_142 = arith.select %lt3A_135, %cond3A_83#0, %masked_sort3A_133 : vector<16xi1>, vector<16xf32>
          %select_n3A_143 = arith.select %lt3A_135, %cond3A_83#1, %masked_sort3A_134 : vector<16xi1>, vector<16xi32>
          %masked_sort3A_144 = arith.constant dense<true> : vector<16xi1>
          %masked_sort3A_145, %masked_sort3A_146, %masked_sort3A_147 = tpu.sort %select_n3A_142, %select_n3A_143 masked %masked_sort3A_144 : (vector<16xf32>, vector<16xi32>, vector<16xi1>) -> (vector<16xi1>, vector<16xf32>, vector<16xi32>)
          scf.yield %masked_sort3A_140, %masked_sort3A_141, %masked_sort3A_146, %masked_sort3A_147 : vector<16xf32>, vector<16xi32>, vector<16xf32>, vector<16xi32>
        } else {
          scf.yield %cond3A_83#0, %cond3A_83#1, %cond3A_83#2, %cond3A_83#3 : vector<16xf32>, vector<16xi32>, vector<16xf32>, vector<16xi32>
        }
        %scan3A_107 = arith.constant 3 : i32
        %scan3A_108 = arith.addi %scan3A_41, %scan3A_107 : i32
        %mul3A_109 = arith.constant 16 : i32
        %mul3A_110 = arith.muli %scan3A_108, %mul3A_109 : i32
        %get3A_111 = arith.index_cast %mul3A_110 : i32 to index
        %get3A_112 = tpu.vector_load %arg5[%get3A_111] {strides = array<i32>} : memref<2048xf32, #tpu.memory_space<vmem>>, vector<16xf32>,
        %mul3A_113 = arith.constant 16 : i32
        %mul3A_114 = arith.muli %scan3A_108, %mul3A_113 : i32
        %add3A_115 = vector.broadcast %mul3A_114 : i32 to vector<16xi32>
        %add3A_116 = arith.addi %iota3A, %add3A_115 : vector<16xi32>
        %masked_sort3A_117 = arith.constant dense<true> : vector<16xi1>
        %masked_sort3A_118, %masked_sort3A_119, %masked_sort3A_120 = tpu.sort %get3A_112, %add3A_116 masked %masked_sort3A_117 {descending = true} : (vector<16xf32>, vector<16xi32>, vector<16xi1>) -> (vector<16xi1>, vector<16xf32>, vector<16xi32>)
        %slice3A_121 = vector.extract_strided_slice %masked_sort3A_119 {offsets = [0], sizes = [1], strides = [1]} : vector<16xf32> to vector<1xf32>
        %squeeze3A_122 = vector.extract %slice3A_121[0] : f32 from vector<1xf32>
        %slice3A_123 = vector.extract_strided_slice %cond3A_106#2 {offsets = [0], sizes = [1], strides = [1]} : vector<16xf32> to vector<1xf32>
        %squeeze3A_124 = vector.extract %slice3A_123[0] : f32 from vector<1xf32>
        %gt3A_125 = arith.cmpf ogt, %squeeze3A_122, %squeeze3A_124 : f32
        %convert_element_type3A_126 = arith.extui %gt3A_125 : i1 to i32
        %cond3A_127 = arith.constant 0 : i32
        %cond3A_128 = arith.cmpi ne, %convert_element_type3A_126, %cond3A_127 : i32
        %cond3A_129:4 = scf.if %cond3A_128 -> (vector<16xf32>, vector<16xi32>, vector<16xf32>, vector<16xi32>) {
          %lt3A = arith.cmpf olt, %cond3A_106#2, %masked_sort3A_119 : vector<16xf32>
          %select_n3A = arith.select %lt3A, %masked_sort3A_119, %cond3A_106#2 : vector<16xi1>, vector<16xf32>
          %select_n3A_130 = arith.select %lt3A, %masked_sort3A_120, %cond3A_106#3 : vector<16xi1>, vector<16xi32>
          %masked_sort3A_131 = arith.constant dense<true> : vector<16xi1>
          %masked_sort3A_132, %masked_sort3A_133, %masked_sort3A_134 = tpu.sort %select_n3A, %select_n3A_130 masked %masked_sort3A_131 {descending = true} : (vector<16xf32>, vector<16xi32>, vector<16xi1>) -> (vector<16xi1>, vector<16xf32>, vector<16xi32>)
          %lt3A_135 = arith.cmpf olt, %cond3A_106#0, %masked_sort3A_133 : vector<16xf32>
          %select_n3A_136 = arith.select %lt3A_135, %masked_sort3A_133, %cond3A_106#0 : vector<16xi1>, vector<16xf32>
          %select_n3A_137 = arith.select %lt3A_135, %masked_sort3A_134, %cond3A_106#1 : vector<16xi1>, vector<16xi32>
          %masked_sort3A_138 = arith.constant dense<true> : vector<16xi1>
          %masked_sort3A_139, %masked_sort3A_140, %masked_sort3A_141 = tpu.sort %select_n3A_136, %select_n3A_137 masked %masked_sort3A_138 : (vector<16xf32>, vector<16xi32>, vector<16xi1>) -> (vector<16xi1>, vector<16xf32>, vector<16xi32>)
          %select_n3A_142 = arith.select %lt3A_135, %cond3A_106#0, %masked_sort3A_133 : vector<16xi1>, vector<16xf32>
          %select_n3A_143 = arith.select %lt3A_135, %cond3A_106#1, %masked_sort3A_134 : vector<16xi1>, vector<16xi32>
          %masked_sort3A_144 = arith.constant dense<true> : vector<16xi1>
          %masked_sort3A_145, %masked_sort3A_146, %masked_sort3A_147 = tpu.sort %select_n3A_142, %select_n3A_143 masked %masked_sort3A_144 : (vector<16xf32>, vector<16xi32>, vector<16xi1>) -> (vector<16xi1>, vector<16xf32>, vector<16xi32>)
          scf.yield %masked_sort3A_140, %masked_sort3A_141, %masked_sort3A_146, %masked_sort3A_147 : vector<16xf32>, vector<16xi32>, vector<16xf32>, vector<16xi32>
        } else {
          scf.yield %cond3A_106#0, %cond3A_106#1, %cond3A_106#2, %cond3A_106#3 : vector<16xf32>, vector<16xi32>, vector<16xf32>, vector<16xi32>
        }
        scf.yield %cond3A_129#0, %cond3A_129#1, %cond3A_129#2, %cond3A_129#3 : vector<16xf32>, vector<16xi32>, vector<16xf32>, vector<16xi32>
      }
      %scan3A_23 = arith.constant 128 : i32
      %masked_sort3A = arith.constant dense<true> : vector<16xi1>
      %masked_sort3A_24, %masked_sort3A_25, %masked_sort3A_26 = tpu.sort %scan3A_22#0, %scan3A_22#1 masked %masked_sort3A {descending = true} : (vector<16xf32>, vector<16xi32>, vector<16xi1>) -> (vector<16xi1>, vector<16xf32>, vector<16xi32>)
      %masked_sort3A_27 = arith.constant dense<true> : vector<16xi1>
      %masked_sort3A_28, %masked_sort3A_29, %masked_sort3A_30 = tpu.sort %scan3A_22#2, %scan3A_22#3 masked %masked_sort3A_27 {descending = true} : (vector<16xf32>, vector<16xi32>, vector<16xi1>) -> (vector<16xi1>, vector<16xf32>, vector<16xi32>)
      %swap3A = arith.constant 0 : index
      %swap3A_31 = tpu.vector_load %arg6[%swap3A] {strides = array<i32>} : memref<32xf32, #tpu.memory_space<vmem>>, vector<16xf32>,
      tpu.vector_store %arg6[%swap3A], %masked_sort3A_25 {strides = array<i32>} : memref<32xf32, #tpu.memory_space<vmem>>, vector<16xf32>,
      %swap3A_32 = arith.constant 16 : index
      %swap3A_33 = tpu.vector_load %arg6[%swap3A_32] {strides = array<i32>} : memref<32xf32, #tpu.memory_space<vmem>>, vector<16xf32>,
      tpu.vector_store %arg6[%swap3A_32], %masked_sort3A_29 {strides = array<i32>} : memref<32xf32, #tpu.memory_space<vmem>>, vector<16xf32>,
      %swap3A_34 = arith.constant 0 : index
      %swap3A_35 = tpu.vector_load %arg7[%swap3A_34] {strides = array<i32>} : memref<32xi32, #tpu.memory_space<vmem>>, vector<16xi32>,
      tpu.vector_store %arg7[%swap3A_34], %masked_sort3A_26 {strides = array<i32>} : memref<32xi32, #tpu.memory_space<vmem>>, vector<16xi32>,
      %swap3A_36 = arith.constant 16 : index
      %swap3A_37 = tpu.vector_load %arg7[%swap3A_36] {strides = array<i32>} : memref<32xi32, #tpu.memory_space<vmem>>, vector<16xi32>,
      tpu.vector_store %arg7[%swap3A_36], %masked_sort3A_30 {strides = array<i32>} : memref<32xi32, #tpu.memory_space<vmem>>, vector<16xi32>,
      %mul3A_38 = arith.constant 32 : i32
      %mul3A_39 = arith.muli %add3A_10, %mul3A_38 : i32
      %multiple_of3A_40 = tpu.assume_multiple %mul3A_39, 32 : i32
      "tpu.region"() ({
        %run_scoped3A = tpu.sem_alloc : memref<!tpu.dma_semaphore, #tpu.memory_space<semaphore_mem>>
        %dma_start3A = tpu.memref_slice %arg3[%multiple_of3A_40] : memref<4096xf32, #tpu.memory_space<hbm>> -> memref<32xf32, #tpu.memory_space<hbm>>
        %dma_start3A_41 = tpu.memref_slice %arg3[%multiple_of3A_40] : memref<4096xf32, #tpu.memory_space<hbm>> -> memref<32xf32, #tpu.memory_space<hbm>>
        tpu.enqueue_dma source(%arg6 : memref<32xf32, #tpu.memory_space<vmem>>) target(%dma_start3A_41 : memref<32xf32, #tpu.memory_space<hbm>>) target_semaphore(%run_scoped3A : memref<!tpu.dma_semaphore, #tpu.memory_space<semaphore_mem>>)
        %dma_wait3A = tpu.memref_slice %arg3[%multiple_of3A_40] : memref<4096xf32, #tpu.memory_space<hbm>> -> memref<32xf32, #tpu.memory_space<hbm>>
        %dma_wait3A_42 = tpu.memref_slice %arg3[%multiple_of3A_40] : memref<4096xf32, #tpu.memory_space<hbm>> -> memref<32xf32, #tpu.memory_space<hbm>>
        tpu.wait_dma2 semaphore(%run_scoped3A : memref<!tpu.dma_semaphore, #tpu.memory_space<semaphore_mem>>) src(%arg6 : memref<32xf32, #tpu.memory_space<vmem>>) dst(%dma_wait3A_42 : memref<32xf32, #tpu.memory_space<hbm>>)
        tpu.yield
      }) : () -> ()
      "tpu.region"() ({
        %run_scoped3A = tpu.sem_alloc : memref<!tpu.dma_semaphore, #tpu.memory_space<semaphore_mem>>
        %dma_start3A = tpu.memref_slice %arg4[%multiple_of3A_40] : memref<4096xi32, #tpu.memory_space<hbm>> -> memref<32xi32, #tpu.memory_space<hbm>>
        %dma_start3A_41 = tpu.memref_slice %arg4[%multiple_of3A_40] : memref<4096xi32, #tpu.memory_space<hbm>> -> memref<32xi32, #tpu.memory_space<hbm>>
        tpu.enqueue_dma source(%arg7 : memref<32xi32, #tpu.memory_space<vmem>>) target(%dma_start3A_41 : memref<32xi32, #tpu.memory_space<hbm>>) target_semaphore(%run_scoped3A : memref<!tpu.dma_semaphore, #tpu.memory_space<semaphore_mem>>)
        %dma_wait3A = tpu.memref_slice %arg4[%multiple_of3A_40] : memref<4096xi32, #tpu.memory_space<hbm>> -> memref<32xi32, #tpu.memory_space<hbm>>
        %dma_wait3A_42 = tpu.memref_slice %arg4[%multiple_of3A_40] : memref<4096xi32, #tpu.memory_space<hbm>> -> memref<32xi32, #tpu.memory_space<hbm>>
        tpu.wait_dma2 semaphore(%run_scoped3A : memref<!tpu.dma_semaphore, #tpu.memory_space<semaphore_mem>>) src(%arg7 : memref<32xi32, #tpu.memory_space<vmem>>) dst(%dma_wait3A_42 : memref<32xi32, #tpu.memory_space<hbm>>)
        tpu.yield
      }) : () -> ()
    }
    %scan3A_8 = arith.constant 4 : i32
    return
  }
}

#map = affine_map<(d0, d1) -> (0)>
module attributes {stable_mosaic.version = 14 : i64} {
  func.func @_sc_topk(%arg0: i32, %arg1: i32, %arg2: memref<262144xf32, #tpu.memory_space<hbm>>, %arg3: memref<4096xf32, #tpu.memory_space<hbm>>, %arg4: memref<4096xi32, #tpu.memory_space<hbm>>, %arg5: memref<2048xf32, #tpu.memory_space<vmem>>, %arg6: memref<32xf32, #tpu.memory_space<vmem>>, %arg7: memref<32xi32, #tpu.memory_space<vmem>>) attributes {dimension_semantics = [#tpu.dimension_semantics<core_parallel>, #tpu.dimension_semantics<subcore_parallel>], iteration_bounds = array<i64: 2, 16>, scalar_prefetch = 0 : i64, scratch_operands = 3 : i64, tpu.core_type = #tpu.core_type<sc_vector_subcore>, window_params = [{transform_indices = #map}, {transform_indices = #map}, {transform_indices = #map}]} {
    %mul3A = arith.constant 2 : i32
    %mul3A_0 = arith.muli %arg1, %mul3A : i32
    %add3A = arith.addi %mul3A_0, %arg0 : i32
    %mul3A_1 = arith.constant 4 : i32
    %mul3A_2 = arith.muli %add3A, %mul3A_1 : i32
    %iota3A = tpu.iota {dimensions = array<i32: 0>} : vector<16xi32>
    %scan3A = arith.constant 0 : i32
    %scan3A_3 = arith.constant 0xFF800000 : f32
    %scan3A_4 = arith.constant 0 : i32
    %scan3A_5 = arith.constant 4 : i32
    %scan3A_6 = arith.addi %scan3A_4, %scan3A_5 : i32
    %scan3A_7 = arith.constant 1 : i32
    scf.for %scan3A_9 = %scan3A_4 to %scan3A_6 step %scan3A_7  : i32 {
      %add3A_10 = arith.addi %mul3A_2, %scan3A_9 : i32
      %mul3A_11 = arith.constant 2048 : i32
      %mul3A_12 = arith.muli %add3A_10, %mul3A_11 : i32
      %multiple_of3A = tpu.assume_multiple %mul3A_12, 2048 : i32
      "tpu.region"() ({
        %run_scoped3A = tpu.sem_alloc : memref<!tpu.dma_semaphore, #tpu.memory_space<semaphore_mem>>
        %dma_start3A = tpu.memref_slice %arg2[%multiple_of3A] : memref<262144xf32, #tpu.memory_space<hbm>> -> memref<2048xf32, #tpu.memory_space<hbm>>
        %dma_start3A_41 = tpu.memref_slice %arg2[%multiple_of3A] : memref<262144xf32, #tpu.memory_space<hbm>> -> memref<2048xf32, #tpu.memory_space<hbm>>
        tpu.enqueue_dma source(%dma_start3A_41 : memref<2048xf32, #tpu.memory_space<hbm>>) target(%arg5 : memref<2048xf32, #tpu.memory_space<vmem>>) target_semaphore(%run_scoped3A : memref<!tpu.dma_semaphore, #tpu.memory_space<semaphore_mem>>)
        %dma_wait3A = tpu.memref_slice %arg2[%multiple_of3A] : memref<262144xf32, #tpu.memory_space<hbm>> -> memref<2048xf32, #tpu.memory_space<hbm>>
        %dma_wait3A_42 = tpu.memref_slice %arg2[%multiple_of3A] : memref<262144xf32, #tpu.memory_space<hbm>> -> memref<2048xf32, #tpu.memory_space<hbm>>
        tpu.wait_dma2 semaphore(%run_scoped3A : memref<!tpu.dma_semaphore, #tpu.memory_space<semaphore_mem>>) src(%dma_wait3A_42 : memref<2048xf32, #tpu.memory_space<hbm>>) dst(%arg5 : memref<2048xf32, #tpu.memory_space<vmem>>)
        tpu.yield
      }) : () -> ()
      %broadcast_in_dim3A = vector.broadcast %scan3A_3 : f32 to vector<16xf32>
      %broadcast_in_dim3A_13 = arith.constant 0 : i32
      %broadcast_in_dim3A_14 = vector.broadcast %broadcast_in_dim3A_13 : i32 to vector<16xi32>
      %broadcast_in_dim3A_15 = vector.broadcast %scan3A_3 : f32 to vector<16xf32>
      %broadcast_in_dim3A_16 = arith.constant 0 : i32
      %broadcast_in_dim3A_17 = vector.broadcast %broadcast_in_dim3A_16 : i32 to vector<16xi32>
      %scan3A_18 = arith.constant 0 : i32
      %scan3A_19 = arith.constant 128 : i32
      %scan3A_20 = arith.addi %scan3A_18, %scan3A_19 : i32
      %scan3A_21 = arith.constant 4 : i32
      %scan3A_22:4 = scf.for %scan3A_41 = %scan3A_18 to %scan3A_20 step %scan3A_21 iter_args(%scan3A_42 = %broadcast_in_dim3A, %scan3A_43 = %broadcast_in_dim3A_14, %scan3A_44 = %broadcast_in_dim3A_15, %scan3A_45 = %broadcast_in_dim3A_17) -> (vector<16xf32>, vector<16xi32>, vector<16xf32>, vector<16xi32>)  : i32 {
        %mul3A_46 = arith.constant 16 : i32
        %mul3A_47 = arith.muli %scan3A_41, %mul3A_46 : i32
        %get3A = arith.index_cast %mul3A_47 : i32 to index
        %get3A_48 = tpu.vector_load %arg5[%get3A] {strides = array<i32>} : memref<2048xf32, #tpu.memory_space<vmem>>, vector<16xf32>,
        %mul3A_49 = arith.constant 16 : i32
        %mul3A_50 = arith.muli %scan3A_41, %mul3A_49 : i32
        %add3A_51 = vector.broadcast %mul3A_50 : i32 to vector<16xi32>
        %add3A_52 = arith.addi %iota3A, %add3A_51 : vector<16xi32>
        %masked_sort3A_53 = arith.constant dense<true> : vector<16xi1>
        %masked_sort3A_54, %masked_sort3A_55, %masked_sort3A_56 = tpu.sort %get3A_48, %add3A_52 masked %masked_sort3A_53 {descending = true} : (vector<16xf32>, vector<16xi32>, vector<16xi1>) -> (vector<16xi1>, vector<16xf32>, vector<16xi32>)
        %slice3A = vector.extract_strided_slice %masked_sort3A_55 {offsets = [0], sizes = [1], strides = [1]} : vector<16xf32> to vector<1xf32>
        %squeeze3A = vector.extract %slice3A[0] : f32 from vector<1xf32>
        %slice3A_57 = vector.extract_strided_slice %scan3A_44 {offsets = [0], sizes = [1], strides = [1]} : vector<16xf32> to vector<1xf32>
        %squeeze3A_58 = vector.extract %slice3A_57[0] : f32 from vector<1xf32>
        %gt3A = arith.cmpf ogt, %squeeze3A, %squeeze3A_58 : f32
        %convert_element_type3A = arith.extui %gt3A : i1 to i32
        %cond3A = arith.constant 0 : i32
        %cond3A_59 = arith.cmpi ne, %convert_element_type3A, %cond3A : i32
        %cond3A_60:4 = scf.if %cond3A_59 -> (vector<16xf32>, vector<16xi32>, vector<16xf32>, vector<16xi32>) {
          %lt3A = arith.cmpf olt, %scan3A_44, %masked_sort3A_55 : vector<16xf32>
          %select_n3A = arith.select %lt3A, %masked_sort3A_55, %scan3A_44 : vector<16xi1>, vector<16xf32>
          %select_n3A_130 = arith.select %lt3A, %masked_sort3A_56, %scan3A_45 : vector<16xi1>, vector<16xi32>
          %masked_sort3A_131 = arith.constant dense<true> : vector<16xi1>
          %masked_sort3A_132, %masked_sort3A_133, %masked_sort3A_134 = tpu.sort %select_n3A, %select_n3A_130 masked %masked_sort3A_131 {descending = true} : (vector<16xf32>, vector<16xi32>, vector<16xi1>) -> (vector<16xi1>, vector<16xf32>, vector<16xi32>)
          %lt3A_135 = arith.cmpf olt, %scan3A_42, %masked_sort3A_133 : vector<16xf32>
          %select_n3A_136 = arith.select %lt3A_135, %masked_sort3A_133, %scan3A_42 : vector<16xi1>, vector<16xf32>
          %select_n3A_137 = arith.select %lt3A_135, %masked_sort3A_134, %scan3A_43 : vector<16xi1>, vector<16xi32>
          %masked_sort3A_138 = arith.constant dense<true> : vector<16xi1>
          %masked_sort3A_139, %masked_sort3A_140, %masked_sort3A_141 = tpu.sort %select_n3A_136, %select_n3A_137 masked %masked_sort3A_138 : (vector<16xf32>, vector<16xi32>, vector<16xi1>) -> (vector<16xi1>, vector<16xf32>, vector<16xi32>)
          %select_n3A_142 = arith.select %lt3A_135, %scan3A_42, %masked_sort3A_133 : vector<16xi1>, vector<16xf32>
          %select_n3A_143 = arith.select %lt3A_135, %scan3A_43, %masked_sort3A_134 : vector<16xi1>, vector<16xi32>
          %masked_sort3A_144 = arith.constant dense<true> : vector<16xi1>
          %masked_sort3A_145, %masked_sort3A_146, %masked_sort3A_147 = tpu.sort %select_n3A_142, %select_n3A_143 masked %masked_sort3A_144 : (vector<16xf32>, vector<16xi32>, vector<16xi1>) -> (vector<16xi1>, vector<16xf32>, vector<16xi32>)
          scf.yield %masked_sort3A_140, %masked_sort3A_141, %masked_sort3A_146, %masked_sort3A_147 : vector<16xf32>, vector<16xi32>, vector<16xf32>, vector<16xi32>
        } else {
          scf.yield %scan3A_42, %scan3A_43, %scan3A_44, %scan3A_45 : vector<16xf32>, vector<16xi32>, vector<16xf32>, vector<16xi32>
        }
        %scan3A_61 = arith.constant 1 : i32
        %scan3A_62 = arith.addi %scan3A_41, %scan3A_61 : i32
        %mul3A_63 = arith.constant 16 : i32
        %mul3A_64 = arith.muli %scan3A_62, %mul3A_63 : i32
        %get3A_65 = arith.index_cast %mul3A_64 : i32 to index
        %get3A_66 = tpu.vector_load %arg5[%get3A_65] {strides = array<i32>} : memref<2048xf32, #tpu.memory_space<vmem>>, vector<16xf32>,
        %mul3A_67 = arith.constant 16 : i32
        %mul3A_68 = arith.muli %scan3A_62, %mul3A_67 : i32
        %add3A_69 = vector.broadcast %mul3A_68 : i32 to vector<16xi32>
        %add3A_70 = arith.addi %iota3A, %add3A_69 : vector<16xi32>
        %masked_sort3A_71 = arith.constant dense<true> : vector<16xi1>
        %masked_sort3A_72, %masked_sort3A_73, %masked_sort3A_74 = tpu.sort %get3A_66, %add3A_70 masked %masked_sort3A_71 {descending = true} : (vector<16xf32>, vector<16xi32>, vector<16xi1>) -> (vector<16xi1>, vector<16xf32>, vector<16xi32>)
        %slice3A_75 = vector.extract_strided_slice %masked_sort3A_73 {offsets = [0], sizes = [1], strides = [1]} : vector<16xf32> to vector<1xf32>
        %squeeze3A_76 = vector.extract %slice3A_75[0] : f32 from vector<1xf32>
        %slice3A_77 = vector.extract_strided_slice %cond3A_60#2 {offsets = [0], sizes = [1], strides = [1]} : vector<16xf32> to vector<1xf32>
        %squeeze3A_78 = vector.extract %slice3A_77[0] : f32 from vector<1xf32>
        %gt3A_79 = arith.cmpf ogt, %squeeze3A_76, %squeeze3A_78 : f32
        %convert_element_type3A_80 = arith.extui %gt3A_79 : i1 to i32
        %cond3A_81 = arith.constant 0 : i32
        %cond3A_82 = arith.cmpi ne, %convert_element_type3A_80, %cond3A_81 : i32
        %cond3A_83:4 = scf.if %cond3A_82 -> (vector<16xf32>, vector<16xi32>, vector<16xf32>, vector<16xi32>) {
          %lt3A = arith.cmpf olt, %cond3A_60#2, %masked_sort3A_73 : vector<16xf32>
          %select_n3A = arith.select %lt3A, %masked_sort3A_73, %cond3A_60#2 : vector<16xi1>, vector<16xf32>
          %select_n3A_130 = arith.select %lt3A, %masked_sort3A_74, %cond3A_60#3 : vector<16xi1>, vector<16xi32>
          %masked_sort3A_131 = arith.constant dense<true> : vector<16xi1>
          %masked_sort3A_132, %masked_sort3A_133, %masked_sort3A_134 = tpu.sort %select_n3A, %select_n3A_130 masked %masked_sort3A_131 {descending = true} : (vector<16xf32>, vector<16xi32>, vector<16xi1>) -> (vector<16xi1>, vector<16xf32>, vector<16xi32>)
          %lt3A_135 = arith.cmpf olt, %cond3A_60#0, %masked_sort3A_133 : vector<16xf32>
          %select_n3A_136 = arith.select %lt3A_135, %masked_sort3A_133, %cond3A_60#0 : vector<16xi1>, vector<16xf32>
          %select_n3A_137 = arith.select %lt3A_135, %masked_sort3A_134, %cond3A_60#1 : vector<16xi1>, vector<16xi32>
          %masked_sort3A_138 = arith.constant dense<true> : vector<16xi1>
          %masked_sort3A_139, %masked_sort3A_140, %masked_sort3A_141 = tpu.sort %select_n3A_136, %select_n3A_137 masked %masked_sort3A_138 : (vector<16xf32>, vector<16xi32>, vector<16xi1>) -> (vector<16xi1>, vector<16xf32>, vector<16xi32>)
          %select_n3A_142 = arith.select %lt3A_135, %cond3A_60#0, %masked_sort3A_133 : vector<16xi1>, vector<16xf32>
          %select_n3A_143 = arith.select %lt3A_135, %cond3A_60#1, %masked_sort3A_134 : vector<16xi1>, vector<16xi32>
          %masked_sort3A_144 = arith.constant dense<true> : vector<16xi1>
          %masked_sort3A_145, %masked_sort3A_146, %masked_sort3A_147 = tpu.sort %select_n3A_142, %select_n3A_143 masked %masked_sort3A_144 : (vector<16xf32>, vector<16xi32>, vector<16xi1>) -> (vector<16xi1>, vector<16xf32>, vector<16xi32>)
          scf.yield %masked_sort3A_140, %masked_sort3A_141, %masked_sort3A_146, %masked_sort3A_147 : vector<16xf32>, vector<16xi32>, vector<16xf32>, vector<16xi32>
        } else {
          scf.yield %cond3A_60#0, %cond3A_60#1, %cond3A_60#2, %cond3A_60#3 : vector<16xf32>, vector<16xi32>, vector<16xf32>, vector<16xi32>
        }
        %scan3A_84 = arith.constant 2 : i32
        %scan3A_85 = arith.addi %scan3A_41, %scan3A_84 : i32
        %mul3A_86 = arith.constant 16 : i32
        %mul3A_87 = arith.muli %scan3A_85, %mul3A_86 : i32
        %get3A_88 = arith.index_cast %mul3A_87 : i32 to index
        %get3A_89 = tpu.vector_load %arg5[%get3A_88] {strides = array<i32>} : memref<2048xf32, #tpu.memory_space<vmem>>, vector<16xf32>,
        %mul3A_90 = arith.constant 16 : i32
        %mul3A_91 = arith.muli %scan3A_85, %mul3A_90 : i32
        %add3A_92 = vector.broadcast %mul3A_91 : i32 to vector<16xi32>
        %add3A_93 = arith.addi %iota3A, %add3A_92 : vector<16xi32>
        %masked_sort3A_94 = arith.constant dense<true> : vector<16xi1>
        %masked_sort3A_95, %masked_sort3A_96, %masked_sort3A_97 = tpu.sort %get3A_89, %add3A_93 masked %masked_sort3A_94 {descending = true} : (vector<16xf32>, vector<16xi32>, vector<16xi1>) -> (vector<16xi1>, vector<16xf32>, vector<16xi32>)
        %slice3A_98 = vector.extract_strided_slice %masked_sort3A_96 {offsets = [0], sizes = [1], strides = [1]} : vector<16xf32> to vector<1xf32>
        %squeeze3A_99 = vector.extract %slice3A_98[0] : f32 from vector<1xf32>
        %slice3A_100 = vector.extract_strided_slice %cond3A_83#2 {offsets = [0], sizes = [1], strides = [1]} : vector<16xf32> to vector<1xf32>
        %squeeze3A_101 = vector.extract %slice3A_100[0] : f32 from vector<1xf32>
        %gt3A_102 = arith.cmpf ogt, %squeeze3A_99, %squeeze3A_101 : f32
        %convert_element_type3A_103 = arith.extui %gt3A_102 : i1 to i32
        %cond3A_104 = arith.constant 0 : i32
        %cond3A_105 = arith.cmpi ne, %convert_element_type3A_103, %cond3A_104 : i32
        %cond3A_106:4 = scf.if %cond3A_105 -> (vector<16xf32>, vector<16xi32>, vector<16xf32>, vector<16xi32>) {
          %lt3A = arith.cmpf olt, %cond3A_83#2, %masked_sort3A_96 : vector<16xf32>
          %select_n3A = arith.select %lt3A, %masked_sort3A_96, %cond3A_83#2 : vector<16xi1>, vector<16xf32>
          %select_n3A_130 = arith.select %lt3A, %masked_sort3A_97, %cond3A_83#3 : vector<16xi1>, vector<16xi32>
          %masked_sort3A_131 = arith.constant dense<true> : vector<16xi1>
          %masked_sort3A_132, %masked_sort3A_133, %masked_sort3A_134 = tpu.sort %select_n3A, %select_n3A_130 masked %masked_sort3A_131 {descending = true} : (vector<16xf32>, vector<16xi32>, vector<16xi1>) -> (vector<16xi1>, vector<16xf32>, vector<16xi32>)
          %lt3A_135 = arith.cmpf olt, %cond3A_83#0, %masked_sort3A_133 : vector<16xf32>
          %select_n3A_136 = arith.select %lt3A_135, %masked_sort3A_133, %cond3A_83#0 : vector<16xi1>, vector<16xf32>
          %select_n3A_137 = arith.select %lt3A_135, %masked_sort3A_134, %cond3A_83#1 : vector<16xi1>, vector<16xi32>
          %masked_sort3A_138 = arith.constant dense<true> : vector<16xi1>
          %masked_sort3A_139, %masked_sort3A_140, %masked_sort3A_141 = tpu.sort %select_n3A_136, %select_n3A_137 masked %masked_sort3A_138 : (vector<16xf32>, vector<16xi32>, vector<16xi1>) -> (vector<16xi1>, vector<16xf32>, vector<16xi32>)
          %select_n3A_142 = arith.select %lt3A_135, %cond3A_83#0, %masked_sort3A_133 : vector<16xi1>, vector<16xf32>
          %select_n3A_143 = arith.select %lt3A_135, %cond3A_83#1, %masked_sort3A_134 : vector<16xi1>, vector<16xi32>
          %masked_sort3A_144 = arith.constant dense<true> : vector<16xi1>
          %masked_sort3A_145, %masked_sort3A_146, %masked_sort3A_147 = tpu.sort %select_n3A_142, %select_n3A_143 masked %masked_sort3A_144 : (vector<16xf32>, vector<16xi32>, vector<16xi1>) -> (vector<16xi1>, vector<16xf32>, vector<16xi32>)
          scf.yield %masked_sort3A_140, %masked_sort3A_141, %masked_sort3A_146, %masked_sort3A_147 : vector<16xf32>, vector<16xi32>, vector<16xf32>, vector<16xi32>
        } else {
          scf.yield %cond3A_83#0, %cond3A_83#1, %cond3A_83#2, %cond3A_83#3 : vector<16xf32>, vector<16xi32>, vector<16xf32>, vector<16xi32>
        }
        %scan3A_107 = arith.constant 3 : i32
        %scan3A_108 = arith.addi %scan3A_41, %scan3A_107 : i32
        %mul3A_109 = arith.constant 16 : i32
        %mul3A_110 = arith.muli %scan3A_108, %mul3A_109 : i32
        %get3A_111 = arith.index_cast %mul3A_110 : i32 to index
        %get3A_112 = tpu.vector_load %arg5[%get3A_111] {strides = array<i32>} : memref<2048xf32, #tpu.memory_space<vmem>>, vector<16xf32>,
        %mul3A_113 = arith.constant 16 : i32
        %mul3A_114 = arith.muli %scan3A_108, %mul3A_113 : i32
        %add3A_115 = vector.broadcast %mul3A_114 : i32 to vector<16xi32>
        %add3A_116 = arith.addi %iota3A, %add3A_115 : vector<16xi32>
        %masked_sort3A_117 = arith.constant dense<true> : vector<16xi1>
        %masked_sort3A_118, %masked_sort3A_119, %masked_sort3A_120 = tpu.sort %get3A_112, %add3A_116 masked %masked_sort3A_117 {descending = true} : (vector<16xf32>, vector<16xi32>, vector<16xi1>) -> (vector<16xi1>, vector<16xf32>, vector<16xi32>)
        %slice3A_121 = vector.extract_strided_slice %masked_sort3A_119 {offsets = [0], sizes = [1], strides = [1]} : vector<16xf32> to vector<1xf32>
        %squeeze3A_122 = vector.extract %slice3A_121[0] : f32 from vector<1xf32>
        %slice3A_123 = vector.extract_strided_slice %cond3A_106#2 {offsets = [0], sizes = [1], strides = [1]} : vector<16xf32> to vector<1xf32>
        %squeeze3A_124 = vector.extract %slice3A_123[0] : f32 from vector<1xf32>
        %gt3A_125 = arith.cmpf ogt, %squeeze3A_122, %squeeze3A_124 : f32
        %convert_element_type3A_126 = arith.extui %gt3A_125 : i1 to i32
        %cond3A_127 = arith.constant 0 : i32
        %cond3A_128 = arith.cmpi ne, %convert_element_type3A_126, %cond3A_127 : i32
        %cond3A_129:4 = scf.if %cond3A_128 -> (vector<16xf32>, vector<16xi32>, vector<16xf32>, vector<16xi32>) {
          %lt3A = arith.cmpf olt, %cond3A_106#2, %masked_sort3A_119 : vector<16xf32>
          %select_n3A = arith.select %lt3A, %masked_sort3A_119, %cond3A_106#2 : vector<16xi1>, vector<16xf32>
          %select_n3A_130 = arith.select %lt3A, %masked_sort3A_120, %cond3A_106#3 : vector<16xi1>, vector<16xi32>
          %masked_sort3A_131 = arith.constant dense<true> : vector<16xi1>
          %masked_sort3A_132, %masked_sort3A_133, %masked_sort3A_134 = tpu.sort %select_n3A, %select_n3A_130 masked %masked_sort3A_131 {descending = true} : (vector<16xf32>, vector<16xi32>, vector<16xi1>) -> (vector<16xi1>, vector<16xf32>, vector<16xi32>)
          %lt3A_135 = arith.cmpf olt, %cond3A_106#0, %masked_sort3A_133 : vector<16xf32>
          %select_n3A_136 = arith.select %lt3A_135, %masked_sort3A_133, %cond3A_106#0 : vector<16xi1>, vector<16xf32>
          %select_n3A_137 = arith.select %lt3A_135, %masked_sort3A_134, %cond3A_106#1 : vector<16xi1>, vector<16xi32>
          %masked_sort3A_138 = arith.constant dense<true> : vector<16xi1>
          %masked_sort3A_139, %masked_sort3A_140, %masked_sort3A_141 = tpu.sort %select_n3A_136, %select_n3A_137 masked %masked_sort3A_138 : (vector<16xf32>, vector<16xi32>, vector<16xi1>) -> (vector<16xi1>, vector<16xf32>, vector<16xi32>)
          %select_n3A_142 = arith.select %lt3A_135, %cond3A_106#0, %masked_sort3A_133 : vector<16xi1>, vector<16xf32>
          %select_n3A_143 = arith.select %lt3A_135, %cond3A_106#1, %masked_sort3A_134 : vector<16xi1>, vector<16xi32>
          %masked_sort3A_144 = arith.constant dense<true> : vector<16xi1>
          %masked_sort3A_145, %masked_sort3A_146, %masked_sort3A_147 = tpu.sort %select_n3A_142, %select_n3A_143 masked %masked_sort3A_144 : (vector<16xf32>, vector<16xi32>, vector<16xi1>) -> (vector<16xi1>, vector<16xf32>, vector<16xi32>)
          scf.yield %masked_sort3A_140, %masked_sort3A_141, %masked_sort3A_146, %masked_sort3A_147 : vector<16xf32>, vector<16xi32>, vector<16xf32>, vector<16xi32>
        } else {
          scf.yield %cond3A_106#0, %cond3A_106#1, %cond3A_106#2, %cond3A_106#3 : vector<16xf32>, vector<16xi32>, vector<16xf32>, vector<16xi32>
        }
        scf.yield %cond3A_129#0, %cond3A_129#1, %cond3A_129#2, %cond3A_129#3 : vector<16xf32>, vector<16xi32>, vector<16xf32>, vector<16xi32>
      }
      %scan3A_23 = arith.constant 128 : i32
      %masked_sort3A = arith.constant dense<true> : vector<16xi1>
      %masked_sort3A_24, %masked_sort3A_25, %masked_sort3A_26 = tpu.sort %scan3A_22#0, %scan3A_22#1 masked %masked_sort3A {descending = true} : (vector<16xf32>, vector<16xi32>, vector<16xi1>) -> (vector<16xi1>, vector<16xf32>, vector<16xi32>)
      %masked_sort3A_27 = arith.constant dense<true> : vector<16xi1>
      %masked_sort3A_28, %masked_sort3A_29, %masked_sort3A_30 = tpu.sort %scan3A_22#2, %scan3A_22#3 masked %masked_sort3A_27 {descending = true} : (vector<16xf32>, vector<16xi32>, vector<16xi1>) -> (vector<16xi1>, vector<16xf32>, vector<16xi32>)
      %swap3A = arith.constant 0 : index
      %swap3A_31 = tpu.vector_load %arg6[%swap3A] {strides = array<i32>} : memref<32xf32, #tpu.memory_space<vmem>>, vector<16xf32>,
      tpu.vector_store %arg6[%swap3A], %masked_sort3A_25 {strides = array<i32>} : memref<32xf32, #tpu.memory_space<vmem>>, vector<16xf32>,
      %swap3A_32 = arith.constant 16 : index
      %swap3A_33 = tpu.vector_load %arg6[%swap3A_32] {strides = array<i32>} : memref<32xf32, #tpu.memory_space<vmem>>, vector<16xf32>,
      tpu.vector_store %arg6[%swap3A_32], %masked_sort3A_29 {strides = array<i32>} : memref<32xf32, #tpu.memory_space<vmem>>, vector<16xf32>,
      %swap3A_34 = arith.constant 0 : index
      %swap3A_35 = tpu.vector_load %arg7[%swap3A_34] {strides = array<i32>} : memref<32xi32, #tpu.memory_space<vmem>>, vector<16xi32>,
      tpu.vector_store %arg7[%swap3A_34], %masked_sort3A_26 {strides = array<i32>} : memref<32xi32, #tpu.memory_space<vmem>>, vector<16xi32>,
      %swap3A_36 = arith.constant 16 : index
      %swap3A_37 = tpu.vector_load %arg7[%swap3A_36] {strides = array<i32>} : memref<32xi32, #tpu.memory_space<vmem>>, vector<16xi32>,
      tpu.vector_store %arg7[%swap3A_36], %masked_sort3A_30 {strides = array<i32>} : memref<32xi32, #tpu.memory_space<vmem>>, vector<16xi32>,
      %mul3A_38 = arith.constant 32 : i32
      %mul3A_39 = arith.muli %add3A_10, %mul3A_38 : i32
      %multiple_of3A_40 = tpu.assume_multiple %mul3A_39, 32 : i32
      "tpu.region"() ({
        %run_scoped3A = tpu.sem_alloc : memref<!tpu.dma_semaphore, #tpu.memory_space<semaphore_mem>>
        %dma_start3A = tpu.memref_slice %arg3[%multiple_of3A_40] : memref<4096xf32, #tpu.memory_space<hbm>> -> memref<32xf32, #tpu.memory_space<hbm>>
        %dma_start3A_41 = tpu.memref_slice %arg3[%multiple_of3A_40] : memref<4096xf32, #tpu.memory_space<hbm>> -> memref<32xf32, #tpu.memory_space<hbm>>
        tpu.enqueue_dma source(%arg6 : memref<32xf32, #tpu.memory_space<vmem>>) target(%dma_start3A_41 : memref<32xf32, #tpu.memory_space<hbm>>) target_semaphore(%run_scoped3A : memref<!tpu.dma_semaphore, #tpu.memory_space<semaphore_mem>>)
        %dma_wait3A = tpu.memref_slice %arg3[%multiple_of3A_40] : memref<4096xf32, #tpu.memory_space<hbm>> -> memref<32xf32, #tpu.memory_space<hbm>>
        %dma_wait3A_42 = tpu.memref_slice %arg3[%multiple_of3A_40] : memref<4096xf32, #tpu.memory_space<hbm>> -> memref<32xf32, #tpu.memory_space<hbm>>
        tpu.wait_dma2 semaphore(%run_scoped3A : memref<!tpu.dma_semaphore, #tpu.memory_space<semaphore_mem>>) src(%arg6 : memref<32xf32, #tpu.memory_space<vmem>>) dst(%dma_wait3A_42 : memref<32xf32, #tpu.memory_space<hbm>>)
        tpu.yield
      }) : () -> ()
      "tpu.region"() ({
        %run_scoped3A = tpu.sem_alloc : memref<!tpu.dma_semaphore, #tpu.memory_space<semaphore_mem>>
        %dma_start3A = tpu.memref_slice %arg4[%multiple_of3A_40] : memref<4096xi32, #tpu.memory_space<hbm>> -> memref<32xi32, #tpu.memory_space<hbm>>
        %dma_start3A_41 = tpu.memref_slice %arg4[%multiple_of3A_40] : memref<4096xi32, #tpu.memory_space<hbm>> -> memref<32xi32, #tpu.memory_space<hbm>>
        tpu.enqueue_dma source(%arg7 : memref<32xi32, #tpu.memory_space<vmem>>) target(%dma_start3A_41 : memref<32xi32, #tpu.memory_space<hbm>>) target_semaphore(%run_scoped3A : memref<!tpu.dma_semaphore, #tpu.memory_space<semaphore_mem>>)
        %dma_wait3A = tpu.memref_slice %arg4[%multiple_of3A_40] : memref<4096xi32, #tpu.memory_space<hbm>> -> memref<32xi32, #tpu.memory_space<hbm>>
        %dma_wait3A_42 = tpu.memref_slice %arg4[%multiple_of3A_40] : memref<4096xi32, #tpu.memory_space<hbm>> -> memref<32xi32, #tpu.memory_space<hbm>>
        tpu.wait_dma2 semaphore(%run_scoped3A : memref<!tpu.dma_semaphore, #tpu.memory_space<semaphore_mem>>) src(%arg7 : memref<32xi32, #tpu.memory_space<vmem>>) dst(%dma_wait3A_42 : memref<32xi32, #tpu.memory_space<hbm>>)
        tpu.yield
      }) : () -> ()
    }
    %scan3A_8 = arith.constant 4 : i32
    return
  }
}

module attributes {stable_mosaic.version = 14 : i64} {
  func.func @_gate_body(%arg0: i32, %arg1: i32, %arg2: memref<1x512x4096xf32, #tpu.memory_space<vmem>>, %arg3: memref<64x4096xf32, #tpu.memory_space<vmem>>, %arg4: memref<1x64x512xf32, #tpu.memory_space<vmem>>) attributes {dimension_semantics = [#tpu.dimension_semantics<arbitrary>, #tpu.dimension_semantics<arbitrary>], iteration_bounds = array<i64: 2, 4>, scalar_prefetch = 0 : i64, scratch_operands = 0 : i64, tpu.core_type = #tpu.core_type<tc>, window_params = [{transform_indices = @transform_0, window_bounds = array<i64: 1, 512, 4096>}, {pipeline_mode = #tpu.pipeline_mode<synchronous>, transform_indices = @transform_1, window_bounds = array<i64: 64, 4096>}, {transform_indices = @transform_2, window_bounds = array<i64: 1, 64, 512>}]} {
    %get3A = arith.constant 0 : index
    %get3A_0 = arith.constant 0 : index
    %get3A_1 = arith.constant 0 : index
    %get3A_2 = vector.load %arg2[%get3A, %get3A_0, %get3A_1] : memref<1x512x4096xf32, #tpu.memory_space<vmem>>, vector<1x512x4096xf32>
    %get3A_3 = vector.shape_cast %get3A_2 : vector<1x512x4096xf32> to vector<512x4096xf32>
    %get3A_4 = arith.constant 0 : index
    %get3A_5 = arith.constant 0 : index
    %get3A_6 = vector.load %arg3[%get3A_4, %get3A_5] : memref<64x4096xf32, #tpu.memory_space<vmem>>, vector<64x4096xf32>
    %dot_general3A = arith.constant dense<0.000000e+00> : vector<64x512xf32>
    %dot_general3A_7 = tpu.matmul %get3A_6, %get3A_3, %dot_general3A {dimension_numbers = #tpu.dot_dimension_numbers<[1], [1], [0], [0], [0, 0, 1, 0], [], []>, transpose_lhs_hint = false} : vector<64x4096xf32>, vector<512x4096xf32>, vector<64x512xf32> -> vector<64x512xf32>
    %reduce_max3A = arith.constant dense<0xFF800000> : vector<512xf32>
    %reduce_max3A_8 = vector.multi_reduction <maximumf>, %dot_general3A_7, %reduce_max3A [0] : vector<64x512xf32> to vector<512xf32>
    %broadcast_in_dim3A = vector.shape_cast %reduce_max3A_8 : vector<512xf32> to vector<1x512xf32>
    %sub3A = vector.broadcast %broadcast_in_dim3A : vector<1x512xf32> to vector<64x512xf32>
    %sub3A_9 = arith.subf %dot_general3A_7, %sub3A : vector<64x512xf32>
    %exp3A = math.exp %sub3A_9 : vector<64x512xf32>
    %reduce_sum3A = arith.constant dense<0.000000e+00> : vector<512xf32>
    %reduce_sum3A_10 = vector.multi_reduction <add>, %exp3A, %reduce_sum3A [0] : vector<64x512xf32> to vector<512xf32>
    %broadcast_in_dim3A_11 = vector.shape_cast %reduce_sum3A_10 : vector<512xf32> to vector<1x512xf32>
    %div3A = vector.broadcast %broadcast_in_dim3A_11 : vector<1x512xf32> to vector<64x512xf32>
    %div3A_12 = arith.divf %exp3A, %div3A : vector<64x512xf32>
    %swap3A = arith.constant 0 : index
    %swap3A_13 = arith.constant 0 : index
    %swap3A_14 = arith.constant 0 : index
    %swap3A_15 = vector.load %arg4[%swap3A, %swap3A_13, %swap3A_14] : memref<1x64x512xf32, #tpu.memory_space<vmem>>, vector<1x64x512xf32>
    %swap3A_16 = vector.shape_cast %swap3A_15 : vector<1x64x512xf32> to vector<64x512xf32>
    %swap3A_17 = vector.shape_cast %div3A_12 : vector<64x512xf32> to vector<1x64x512xf32>
    tpu.vector_store %arg4[%swap3A, %swap3A_13, %swap3A_14], %swap3A_17 {strides = array<i32>} : memref<1x64x512xf32, #tpu.memory_space<vmem>>, vector<1x64x512xf32>,
    return
  }
  func.func @transform_0(%arg0: i32, %arg1: i32) -> (i32, i32, i32) {
    %add3A = arith.constant 0 : i32
    %add3A_0 = arith.addi %add3A, %arg0 : i32
    %c0_i32 = arith.constant 0 : i32
    %c0_i32_1 = arith.constant 0 : i32
    return %add3A_0, %arg1, %c0_i32 : i32, i32, i32
  }
  func.func @transform_1(%arg0: i32, %arg1: i32) -> (i32, i32) {
    %c0_i32 = arith.constant 0 : i32
    %c0_i32_0 = arith.constant 0 : i32
    %c0_i32_1 = arith.constant 0 : i32
    return %c0_i32, %c0_i32_0 : i32, i32
  }
  func.func @transform_2(%arg0: i32, %arg1: i32) -> (i32, i32, i32) {
    %c0_i32 = arith.constant 0 : i32
    %c0_i32_0 = arith.constant 0 : i32
    return %arg0, %c0_i32, %arg1 : i32, i32, i32
  }
}

module attributes {stable_mosaic.version = 14 : i64} {
  func.func @_gate_body(%arg0: i32, %arg1: i32, %arg2: memref<1x512x4096xf32, #tpu.memory_space<vmem>>, %arg3: memref<64x4096xf32, #tpu.memory_space<vmem>>, %arg4: memref<1x64x512xf32, #tpu.memory_space<vmem>>) attributes {dimension_semantics = [#tpu.dimension_semantics<arbitrary>, #tpu.dimension_semantics<arbitrary>], iteration_bounds = array<i64: 2, 4>, scalar_prefetch = 0 : i64, scratch_operands = 0 : i64, tpu.core_type = #tpu.core_type<tc>, window_params = [{transform_indices = @transform_0, window_bounds = array<i64: 1, 512, 4096>}, {pipeline_mode = #tpu.pipeline_mode<synchronous>, transform_indices = @transform_1, window_bounds = array<i64: 64, 4096>}, {transform_indices = @transform_2, window_bounds = array<i64: 1, 64, 512>}]} {
    %get3A = arith.constant 0 : index
    %get3A_0 = arith.constant 0 : index
    %get3A_1 = arith.constant 0 : index
    %get3A_2 = vector.load %arg2[%get3A, %get3A_0, %get3A_1] : memref<1x512x4096xf32, #tpu.memory_space<vmem>>, vector<1x512x4096xf32>
    %get3A_3 = vector.shape_cast %get3A_2 : vector<1x512x4096xf32> to vector<512x4096xf32>
    %get3A_4 = arith.constant 0 : index
    %get3A_5 = arith.constant 0 : index
    %get3A_6 = vector.load %arg3[%get3A_4, %get3A_5] : memref<64x4096xf32, #tpu.memory_space<vmem>>, vector<64x4096xf32>
    %dot_general3A = arith.constant dense<0.000000e+00> : vector<64x512xf32>
    %dot_general3A_7 = tpu.matmul %get3A_6, %get3A_3, %dot_general3A {dimension_numbers = #tpu.dot_dimension_numbers<[1], [1], [0], [0], [0, 0, 1, 0], [], []>, transpose_lhs_hint = false} : vector<64x4096xf32>, vector<512x4096xf32>, vector<64x512xf32> -> vector<64x512xf32>
    %reduce_max3A = arith.constant dense<0xFF800000> : vector<512xf32>
    %reduce_max3A_8 = vector.multi_reduction <maximumf>, %dot_general3A_7, %reduce_max3A [0] : vector<64x512xf32> to vector<512xf32>
    %broadcast_in_dim3A = vector.shape_cast %reduce_max3A_8 : vector<512xf32> to vector<1x512xf32>
    %sub3A = vector.broadcast %broadcast_in_dim3A : vector<1x512xf32> to vector<64x512xf32>
    %sub3A_9 = arith.subf %dot_general3A_7, %sub3A : vector<64x512xf32>
    %exp3A = math.exp %sub3A_9 : vector<64x512xf32>
    %reduce_sum3A = arith.constant dense<0.000000e+00> : vector<512xf32>
    %reduce_sum3A_10 = vector.multi_reduction <add>, %exp3A, %reduce_sum3A [0] : vector<64x512xf32> to vector<512xf32>
    %broadcast_in_dim3A_11 = vector.shape_cast %reduce_sum3A_10 : vector<512xf32> to vector<1x512xf32>
    %div3A = vector.broadcast %broadcast_in_dim3A_11 : vector<1x512xf32> to vector<64x512xf32>
    %div3A_12 = arith.divf %exp3A, %div3A : vector<64x512xf32>
    %swap3A = arith.constant 0 : index
    %swap3A_13 = arith.constant 0 : index
    %swap3A_14 = arith.constant 0 : index
    %swap3A_15 = vector.load %arg4[%swap3A, %swap3A_13, %swap3A_14] : memref<1x64x512xf32, #tpu.memory_space<vmem>>, vector<1x64x512xf32>
    %swap3A_16 = vector.shape_cast %swap3A_15 : vector<1x64x512xf32> to vector<64x512xf32>
    %swap3A_17 = vector.shape_cast %div3A_12 : vector<64x512xf32> to vector<1x64x512xf32>
    tpu.vector_store %arg4[%swap3A, %swap3A_13, %swap3A_14], %swap3A_17 {strides = array<i32>} : memref<1x64x512xf32, #tpu.memory_space<vmem>>, vector<1x64x512xf32>,
    return
  }
  func.func @transform_0(%arg0: i32, %arg1: i32) -> (i32, i32, i32) {
    %add3A = arith.constant 2 : i32
    %add3A_0 = arith.addi %add3A, %arg0 : i32
    %c0_i32 = arith.constant 0 : i32
    %c0_i32_1 = arith.constant 0 : i32
    return %add3A_0, %arg1, %c0_i32 : i32, i32, i32
  }
  func.func @transform_1(%arg0: i32, %arg1: i32) -> (i32, i32) {
    %c0_i32 = arith.constant 0 : i32
    %c0_i32_0 = arith.constant 0 : i32
    %c0_i32_1 = arith.constant 0 : i32
    return %c0_i32, %c0_i32_0 : i32, i32
  }
  func.func @transform_2(%arg0: i32, %arg1: i32) -> (i32, i32, i32) {
    %c0_i32 = arith.constant 0 : i32
    %c0_i32_0 = arith.constant 0 : i32
    return %arg0, %c0_i32, %arg1 : i32, i32, i32
  }
}

module attributes {stable_mosaic.version = 14 : i64} {
  func.func @_dispatch_body(%arg0: i32, %arg1: memref<16x32xi32, #tpu.memory_space<vmem>>, %arg2: memref<16x32x2048xf32, #tpu.memory_space<vmem>>) attributes {dimension_semantics = [#tpu.dimension_semantics<arbitrary>], iteration_bounds = array<i64: 16>, scalar_prefetch = 0 : i64, scratch_operands = 0 : i64, tpu.core_type = #tpu.core_type<tc>, window_params = [{transform_indices = @transform_0, window_bounds = array<i64: 16, 32>}, {transform_indices = @transform_1, window_bounds = array<i64: 16, 32, 2048>}]} {
    %get3A = arith.constant 0 : index
    %get3A_0 = arith.constant 0 : index
    %get3A_1 = vector.load %arg1[%get3A, %get3A_0] : memref<16x32xi32, #tpu.memory_space<vmem>>, vector<16x32xi32>
    %broadcast_in_dim3A = vector.shape_cast %get3A_1 : vector<16x32xi32> to vector<16x32x1xi32>
    %iota3A = tpu.iota {dimensions = array<i32: 2>} : vector<16x32x2048xi32>
    %eq3A = vector.broadcast %broadcast_in_dim3A : vector<16x32x1xi32> to vector<16x32x2048xi32>
    %eq3A_2 = arith.cmpi eq, %eq3A, %iota3A : vector<16x32x2048xi32>
    %convert_element_type3A = arith.extui %eq3A_2 : vector<16x32x2048xi1> to vector<16x32x2048xi32>
    %convert_element_type3A_3 = arith.sitofp %convert_element_type3A : vector<16x32x2048xi32> to vector<16x32x2048xf32>
    %swap3A = arith.constant 0 : index
    %swap3A_4 = arith.constant 0 : index
    %swap3A_5 = arith.constant 0 : index
    %swap3A_6 = vector.load %arg2[%swap3A, %swap3A_4, %swap3A_5] : memref<16x32x2048xf32, #tpu.memory_space<vmem>>, vector<16x32x2048xf32>
    tpu.vector_store %arg2[%swap3A, %swap3A_4, %swap3A_5], %convert_element_type3A_3 {strides = array<i32>} : memref<16x32x2048xf32, #tpu.memory_space<vmem>>, vector<16x32x2048xf32>,
    return
  }
  func.func @transform_0(%arg0: i32) -> (i32, i32) {
    %c0_i32 = arith.constant 0 : i32
    %c0_i32_0 = arith.constant 0 : i32
    return %arg0, %c0_i32 : i32, i32
  }
  func.func @transform_1(%arg0: i32) -> (i32, i32, i32) {
    %c0_i32 = arith.constant 0 : i32
    %c0_i32_0 = arith.constant 0 : i32
    %c0_i32_1 = arith.constant 0 : i32
    return %arg0, %c0_i32, %c0_i32_0 : i32, i32, i32
  }
}

</mosaic_0001>

<sc_bundles>
// kernel: kernel.10.cloned.1.call-start
scs
__scs_entry_jumppad:
0x0: {  	(pc) =	sbr.rel $0x88, $3  }
0x1: {  	(tag) =	ssettag $0x0;
	lr =	simm.s32 $0x1  }
0x2: {  	[smem:$0x3F9F] =	sst lr;
	_ =	strace $0xD0000000  }
0x3: {  	_ = 	snop  }
0x4: {  	_ = 	snop  }
0x5: {  	_ = 	snop  }
0x6: {  	_ = 	snop  }
0x7: {  	_ = 	snop  }
__scs_overlays_trampoline_lowered:
0x8: {  	[smem:$0x3FAE] =	sst s0  }
0x9: {  	[smem:$0x3FAF] =	sst s1  }
0xa: {  	[smem:$0x3FB0] =	sst s2  }
0xb: {  	[smem:$0x3FB1] =	sst s3  }
0xc: {  	[smem:$0x3FB2] =	sst s4  }
0xd: {  	[smem:$0x3FB3] =	sst s5  }
0xe: {  	[smem:$0x3FB4] =	sst s6  }
0xf: {  	[smem:$0x3FB5] =	sst s7  }
0x10: {  	[smem:$0x3FB6] =	sst s8  }
0x11: {  	[smem:$0x3FB7] =	sst s9;
	s0 =	simm.s32 @!p0 $0x0  }
0x12: {  	s1 =	sld [smem:$0x3F9D];
	s0 =	simm.s32 @p0 $0x1  }
0x13: {  	[smem:$0x3FB8] =	sst s0;
	s0 =	simm.s32 @!p1 $0x0  }
0x14: {  	s2 =	sld [smem:$0x3F9C];
	s0 =	simm.s32 @p1 $0x1  }
0x15: {  	[smem:$0x3FB9] =	sst s0;
	s0 =	simm.s32 @!p2 $0x0  }
0x16: {  	s3 =	sld [smem:$0x3FDB];
	s0 =	simm.s32 @p2 $0x1  }
0x17: {  	s4 =	simm.s32 $0x1BF5;
	[smem:$0x3FBB] =	sst s0  }
0x18: {  	s0 =	sld [smem:$0x3F9E];
	_ =	swait.ge [sflag:s4], $0x0  }
0x19: {  	s7 =	sld [smem:$0x3F9F]  }
0x1a: {  	s8 =	sadd.s32 $0xFFFFE003, lr  }
0x1b: {  	s9 =	sadd.s32 $0xFFFFFEF7, lr;
	s5 =	simm.s32 $0xFFFFFFFF;
	p2 =	slt.u32 s8, $0xFFFFF086  }
0x1c: {  	p1 =	slt.u32 s9, $0xF7A;
	s5 =	simm.s32 @!p2 $0x0  }
0x1d: {  	s5 =	simm.s32 @p1 $0x1;
	p0 =	seq.s32 s7, s2  }
0x1e: {  	s7 =	smul.u32 @!p0 $0xF7A, s2;
	p2 =	seq.s32 @!p0 s5, $0x0  }
0x1f: {  	s9 =	smul.u32 $0xF7A, s1;
	s8 =	simm.s32 @!p0 $0x1BF5;
	p2 =	por !p2, p0  }
0x20: {  	[sflag:s8] =	ssyncset.s32 @!p0 $0xFFFFF086;
	s6 =	sadd.s32 @!p0 s3, s7;
	s7 =	simm.s32 @!p0 $0x108  }
0x21: {  	s3 =	sadd.s32 s3, s9;
	s6 =	sadd.s32 @!p0 $0x88, s6;
	s7 =	simm.s32 @p2 $0x1082  }
0x22: {  	[simem:s7], [sflag:s8] =	dma.local @!p0 [hbm:s6], $0xF7A  }
0x23: {  	s9 =	sor.u32 $0xD0000000, s2;
	s6 =	simm.s32 $0x108;
	_ =	swait.ge @!p0 [sflag:s8], $0x0  }
0x24: {  	s3 =	sadd.s32 $0x88, s3;
	s6 =	simm.s32 @!p1 $0x1082;
	[sflag:s4] =	ssyncset.s32 $0xFFFFF086  }
0x25: {  	[simem:s6], [sflag:s4] =	dma.local [hbm:s3], $0xF7A  }
0x26: {  	[smem:$0x3F9F] =	sst s1;
	(tag) =	ssettag s2;
	_ =	strace s9  }
0x27: {  	s1 =	sld [smem:$0x3FAF]  }
0x28: {  	s2 =	sld [smem:$0x3FB0]  }
0x29: {  	s4 =	sld [smem:$0x3FB2]  }
0x2a: {  	p0 =	seq.s32 s5, $0x0;
	s5 =	sld [smem:$0x3FB3]  }
0x2b: {  	s6 =	sld [smem:$0x3FB4]  }
0x2c: {  	s7 =	sld [smem:$0x3FB5]  }
0x2d: {  	s3 =	simm.s32 $0x108;
	s8 =	sld [smem:$0x3FB6]  }
0x2e: {  	s3 =	simm.s32 @!p0 $0x1082;
	s9 =	sld [smem:$0x3FB7]  }
0x2f: {  	lr =	sadd.s32 s0, s3;
	s0 =	sld [smem:$0x3FAE]  }
0x30: {  	s3 =	sld [smem:$0x3FB1]  }
0x31: {  	[smem:$0x3FBA] =	sst s10  }
0x32: {  	s10 =	sld [smem:$0x3FB8];
	_ =	sdelay $0x3  }
0x33: {  	p0 =	seq.s32 s10, $0x1;
	s10 =	sld [smem:$0x3FBA];
	_ =	sdelay $0x3  }
0x34: {  	[smem:$0x3FBA] =	sst s10  }
0x35: {  	s10 =	sld [smem:$0x3FB9];
	_ =	sdelay $0x3  }
0x36: {  	p1 =	seq.s32 s10, $0x1;
	s10 =	sld [smem:$0x3FBA];
	_ =	sdelay $0x3  }
0x37: {  	[smem:$0x3FBA] =	sst s10  }
0x38: {  	s10 =	sld [smem:$0x3FBB]  }
0x39: {  	_ = 	snop;
	(pc) =	sbr.ind lr, $3  }
0x3a: {  	_ = 	snop  }
0x3b: {  	_ = 	snop  }
0x3c: {  	p2 =	seq.s32 s10, $0x1;
	s10 =	sld [smem:$0x3FBA]  }
0x3d: {  	_ =	shalt  }
0x3e: {  	_ =	shalt  }
0x3f: {  	_ =	shalt  }
0x40: {  	_ =	shalt  }
0x41: {  	_ =	shalt  }
0x42: {  	_ =	shalt  }
0x43: {  	_ =	shalt  }
0x44: {  	_ =	shalt  }
0x45: {  	_ =	shalt  }
0x46: {  	_ =	shalt  }
0x47: {  	_ =	shalt  }
0x48: {  	_ =	shalt  }
0x49: {  	_ =	shalt  }
0x4a: {  	_ =	shalt  }
0x4b: {  	_ =	shalt  }
0x4c: {  	_ =	shalt  }
0x4d: {  	_ =	shalt  }
0x4e: {  	_ =	shalt  }
0x4f: {  	_ =	shalt  }
0x50: {  	_ =	shalt  }
0x51: {  	_ =	shalt  }
0x52: {  	_ =	shalt  }
0x53: {  	_ =	shalt  }
0x54: {  	_ =	shalt  }
0x55: {  	_ =	shalt  }
0x56: {  	_ =	shalt  }
0x57: {  	_ =	shalt  }
0x58: {  	_ =	shalt  }
0x59: {  	_ =	shalt  }
0x5a: {  	_ =	shalt  }
0x5b: {  	_ =	shalt  }
0x5c: {  	_ =	shalt  }
0x5d: {  	_ =	shalt  }
0x5e: {  	_ =	shalt  }
0x5f: {  	_ =	shalt  }
0x60: {  	_ =	shalt  }
0x61: {  	_ =	shalt  }
0x62: {  	_ =	shalt  }
0x63: {  	_ =	shalt  }
0x64: {  	_ =	shalt  }
0x65: {  	_ =	shalt  }
0x66: {  	_ =	shalt  }
0x67: {  	_ =	shalt  }
0x68: {  	_ =	shalt  }
0x69: {  	_ =	shalt  }
0x6a: {  	_ =	shalt  }
0x6b: {  	_ =	shalt  }
0x6c: {  	_ =	shalt  }
0x6d: {  	_ =	shalt  }
0x6e: {  	_ =	shalt  }
0x6f: {  	_ =	shalt  }
0x70: {  	_ =	shalt  }
0x71: {  	_ =	shalt  }
0x72: {  	_ =	shalt  }
0x73: {  	_ =	shalt  }
0x74: {  	_ =	shalt  }
0x75: {  	_ =	shalt  }
0x76: {  	_ =	shalt  }
0x77: {  	_ =	shalt  }
0x78: {  	_ =	shalt  }
0x79: {  	_ =	shalt  }
0x7a: {  	_ =	shalt  }
0x7b: {  	_ =	shalt  }
0x7c: {  	_ =	shalt  }
0x7d: {  	_ =	shalt  }
0x7e: {  	_ =	shalt  }
0x7f: {  	_ =	shalt  }
0x80: {  	_ =	shalt  }
0x81: {  	_ =	shalt  }
0x82: {  	_ =	shalt  }
0x83: {  	_ =	shalt  }
0x84: {  	_ =	shalt  }
0x85: {  	_ =	shalt  }
0x86: {  	_ =	shalt  }
0x87: {  	_ =	shalt  }
.Lfunc_end0:
.L_simem_size_0:
called_computation.1_lowered:
.L_overlay_start_0:
0x88: {  	s2 =	sld [smem:$0x3FD9]  }
0x89: {  	s3 =	sld [smem:$0x3FFE];
	_ =	sdelay $0x1  }
0x8a: {  	s1 =	srdreg.scid  }
0x8b: {  	s0 =	sand.u32 $0x1, s1  }
0x8c: {  	s14 =	sshll.u32 s0, $0xA;
	s2 =	sadd.s32 s3, s2  }
0x8d: {  	s2 =	sadd.s32 s2, s14  }
0x8e: {  	[smem:$0x3FC6] =	sst s2  }
0x8f: {  	_ = 	snop  }
0x90: {  	s2 =	sld [smem:$0x3FD0];
	_ =	sdelay $0x2  }
0x91: {  	s15 =	simm.s32 $0xB;
	s4 =	simm.s32 $0x10  }
0x92: {  	[smem:s4], [sflag:s15] =	dma.local [hbm:s2], $0x1  }
0x93: {  	_ =	swait.eq [sflag:s15], $0x1  }
0x94: {  	[sflag:s15] =	ssyncset.done $0x0  }
0x95: {  	[sflag:s15] =	ssyncadd.s32 $0xFFFFFFFF  }
0x96: {  	s16 =	sld [smem:$0x11];
	(tm) =	ssettm $0x1  }
0x97: {  	s17 =	sld [smem:$0x3FFB];
	_ =	sdelay $0x3  }
0x98: {  	_ =	strace s17  }
0x99: {  	s3 =	sld [smem:$0x3FFC];
	_ =	sdelay $0x3  }
0x9a: {  	_ =	strace s3  }
0x9b: {  	s3 =	sld [smem:$0x3FFD];
	_ =	sdelay $0x3  }
0x9c: {  	_ =	strace s3  }
0x9d: {  	_ =	strace $0x8FFFFFFF  }
0x9e: {  	s18 =	sld [smem:$0x3FDB];
	_ =	sdelay $0x1  }
0x9f: {  	s19 =	simm.s32 $_scs_section_size  }
0xa0: {  	s5 =	simm.s32 $_size__tile_overlayer_lowered;
	s6 =	simm.s32 $_tile_overlayer_lowered  }
0xa1: {  	s22 =	simm.s32 $0x1BFF;
	s21 =	sshll.u32 s6, $0x1;
	s3 =	sadd.s32 s19, s18  }
0xa2: {  	s7 =	simm.s32 $0x0;
	s20 =	sshll.u32 s5, $0x1;
	s5 =	sadd.s32 s21, s3  }
0xa3: {  	[timem:s7], [sflag:s22] =	dma.local [hbm:s5], s20  }
0xa4: {  	_ =	swait.ge [sflag:s22], s20  }
0xa5: {  	s4 =	ssub.s32 $0x0, s20;
	[sflag:s22] =	ssyncset.done $0x0  }
0xa6: {  	[sflag:s22] =	ssyncadd.s32 s4;
	_ =	sdelay $0x1  }
0xa7: {  	s23 =	simm.s32 $0x1B8B  }
0xa8: {  	_ =	swait.ge [sflag:s23], $0x1  }
0xa9: {  	[sflag:s23] =	ssyncset.done $0x0  }
0xaa: {  	s25 =	simm.s32 $0x1B8E;
	s24 =	sld [smem:$0x3FFE];
	[sflag:s23] =	ssyncadd.s32 $0xFFFFFFFF  }
0xab: {  	s26 =	simm.s32 $execute0_lowered;
	[smem:$0x3FD2] =	sst s25  }
0xac: {  	s5 =	sshll.u32 s26, $0x1;
	_ =	strace $0x80000046;
	[dreg:$0x1] =	wrdreg $0xFFFFFFFF  }
0xad: {  	s28 =	simm.s32 $_size_execute0_lowered;
	s3 =	sadd.s32 s3, s5;
	[dreg:$0x0] =	wrdreg $0x0  }
0xae: {  	s5 =	sshll.u32 s28, $0x1;
	[dreg:$0x2] =	wrdreg s3  }
0xaf: {  	[dreg:$0x3] =	wrdreg s5  }
0xb0: {  	[dreg:$0x4] =	wrdreg $0xC0  }
0xb1: {  	_ =	task [dreg:s7], $0x5FFFF  }
0xb2: {  	[dreg:$0x1] =	wrdreg $0xFFFFFFFF  }
0xb3: {  	[dreg:$0x0] =	wrdreg $0x60  }
0xb4: {  	[dreg:$0x2] =	wrdreg s16  }
0xb5: {  	[dreg:$0x3] =	wrdreg s24  }
0xb6: {  	[dreg:$0x4] =	wrdreg $0xA  }
0xb7: {  	_ =	task.clear_ibuf [dreg:s7], $0x5FFFF;
	_ =	strace $0x90000046  }
0xb8: {  	s29 =	simm.s32 $0xA;
	_ =	strace $0x80000048  }
0xb9: {  	_ =	swait.ge [sflag:s29], $0x1  }
0xba: {  	[sflag:s29] =	ssyncadd.s32 $0xFFFFFFFF  }
0xbb: {  	_ =	strace $0x90000048  }
0xbc: {  	_ =	sfence  }
0xbd: {  	s30 =	sld [smem:$0x0];
	_ =	sdelay $0x2  }
0xbe: {  	s31 =	sshll.u32 s1, $0xD;
	s1 =	sshrl.u32 s1, $0x2  }
0xbf: {  	s3 =	sand.u32 $0x4000, s31;
	s1 =	sadd.s32 s1, s30  }
0xc0: {  	s0 =	sor.u32 s3, s0;
	s1 =	sshll.u32 s1, $0x11  }
0xc1: {  	s0 =	sor.u32 s1, s0  }
0xc2: {  	s0 =	sadd.s32 $0x8F2B, s0  }
0xc3: {  	[sflag:s0] =	ssyncadd.remote.s32 $0x1  }
0xc4: {  	_ =	sfence.sel $0xFFFF  }
0xc5: {  	[dreg:$0x0] =	wrdreg $0xFFFFFFFF;
	(pc) =	sbr.abs _section_cstart, $3  }
0xc6: {  	[dreg:$0x1] =	wrdreg $0xFFFFFFFF  }
0xc7: {  	_ =	task.clear_ibuf [dreg:s7], $0x2FFFF;
	_ =	strace $0x9FFFFFFF  }
0xc8: {  	(tm) =	ssettm $0x7FFFFFFF  }
0xc9: {  	_ =	shalt  }
tec
execute0_lowered:
.L_overlay_start_1:
0x0: {  	(tag) =	ssettag $0x1  }
0x1: {  	s1 =	rddreg [dreg:$0x0]  }
0x2: {  	s3 =	rddreg [dreg:$0x1]  }
0x3: {  	s0 =	rddreg [dreg:$0x2];
	s2 =	simm.s32 $0x0  }
0x4: {  	s4 =	srdreg.scid;
	s9 =	simm.s32 $0x800;
	s10 =	simm.s32 $0x880  }
0x5: {  	s11 =	simm.s32 $0x0;
	[smem:$0x7FF] =	sst s2;
	s6 =	sand.u32 $0x1, s4  }
0x6: {  	s4 =	sadd.s32 $0x1400, s3;
	s5 =	sadd.s32 $0x1200, s3;
	s7 =	ssub.s32 $0x2, s6  }
0x7: {  	s3 =	stileid.u32;
	_ =	strace $0x80000047;
	s8 =	sshrl.u32 s7, $0x1  }
0x8: {  	s31 =	sshll.u32 s3, $0x3;
	s6 =	sshll.u32 s6, $0x2;
	s7 =	ssub.s32 s7, s8  }
0x9: {  	v0 =	vlaneseq.u32;
	s6 =	sor.u32 s6, s31;
	s8 =	simm.s32 $0x1;
	s7 =	smax.u32 s7, $0x1  }
.LBB2_1:
0xa: {  	s12 =	simm.s32 $0x0  }
.LBB2_2:
0xb: {  	s13 =	sadd.s32 s6, s12  }
0xc: {  	s14 =	sshll.u32 s13, $0x8  }
0xd: {  	s15 =	sadd.s32 s1, s14;
	s14 =	simm.s32 $0x0  }
0xe: {  	[tilespmem:s14], [sflag:$0x1] =	stream.linear.gather [hbm4b:s15+s14], $0x800, $0x38;
	[tilespmem:$0x900] =	vst v63  }
0xf: {  	_ =	swait.ge [sflag:s8], $0x800  }
0x10: {  	[sflag:s8] =	ssyncset.done $0x0  }
0x11: {  	s16 =	simm.s32 $0x20;
	[sflag:s8] =	ssyncadd.s32 $0xFFFFF800  }
0x12: {  	v1 =	vld [tilespmem:s16+$0xFFFFFFE0];
	_ =	sdelay $0x3  }
0x13: {  	v2 =	vor.u32 s14, v0  }
0x14: {  	(xrf1) =	vsort.dscd.msk.f32 $0xffff, v1, v2;
	_ =	sdelay $0xd  }
0x15: {  	v1, v2, _ =	vpop (xrf1)  }
0x16: {  	v3 =	vimm.f32 $-Inf;
	(v2sf) =	vpush v1, $0x0  }
0x17: {  	(v2sf) =	vpush v3, $0x0;
	_ =	sdelay $0xd  }
0x18: {  	s17 =	spop (v2sf)  }
0x19: {  	s15 =	spop (v2sf)  }
0x1a: {  	p1 =	sgt.f32 s17, s15;
	_ =	sdelay $0x1  }
0x1b: {  	v4 =	vimm.s32 $0x0;
	vm0 =	vlt.f32 @p1 v3, v1  }
0x1c: {  	v1 =	vsel @p1 vm0, v1, v3;
	v2 =	vsel @p1 vm0, v2, v4  }
0x1d: {  	(xrf1) =	vsort.dscd.msk.f32 @p1 $0xffff, v1, v2;
	_ =	sdelay $0xc  }
0x1e: {  	v1 =	vld [tilespmem:s16+$0xFFFFFFF0]  }
0x1f: {  	v2, v5, _ =	vpop @p1 (xrf1)  }
0x20: {  	vm0 =	vlt.f32 @p1 v3, v2  }
0x21: {  	s25 =	simm.s32 $0x10;
	v6 =	vsel @p1 vm0, v3, v2;
	v7 =	vsel @p1 vm0, v4, v5  }
0x22: {  	v8 =	vor.u32 s25, v0;
	(xrf1) =	vsort.ascd.msk.f32 @p1 $0xffff, v6, v7  }
0x23: {  	(xrf1) =	vsort.dscd.msk.f32 $0xffff, v1, v8;
	_ =	sdelay $0xc  }
0x24: {  	v1, v6, _ =	vpop @p1 (xrf1)  }
0x25: {  	(v2sf) =	vpush @p1 v1, $0x0;
	v7, v8, _ =	vpop (xrf1)  }
0x26: {  	(v2sf) =	vpush v7, $0x0;
	_ =	sdelay $0xd  }
0x27: {  	s17 =	spop @p1 (v2sf)  }
0x28: {  	s15 =	smov.u32 @p1 s17;
	s26 =	spop (v2sf)  }
0x29: {  	p0 =	sgt.f32 s26, s15  }
0x2a: {  	v5 =	vsel @p1 vm0, v5, v4;
	v1 =	vpsel p1, v1, v3  }
0x2b: {  	v2 =	vsel @p1 vm0, v2, v3;
	v6 =	vpsel p1, v6, v4;
	vm0 =	vlt.f32 @p0 v1, v7  }
0x2c: {  	(xrf1) =	vsort.ascd.msk.f32 @p1 $0xffff, v2, v5;
	v7 =	vsel @p0 vm0, v7, v1;
	v8 =	vsel @p0 vm0, v8, v6  }
0x2d: {  	(xrf1) =	vsort.dscd.msk.f32 @p0 $0xffff, v7, v8;
	_ =	sdelay $0xc  }
0x2e: {  	v2 =	vld [tilespmem:s16+$0x0];
	v5, v7, _ =	vpop @p1 (xrf1)  }
0x2f: {  	v3 =	vpsel p1, v5, v3;
	v5, v8, _ =	vpop @p0 (xrf1)  }
0x30: {  	v4 =	vpsel p1, v7, v4;
	vm0 =	vlt.f32 @p0 v3, v5  }
0x31: {  	s28 =	simm.s32 $0x20;
	v7 =	vsel @p0 vm0, v3, v5;
	v9 =	vsel @p0 vm0, v4, v8  }
0x32: {  	v10 =	vor.u32 s28, v0;
	(xrf1) =	vsort.ascd.msk.f32 @p0 $0xffff, v7, v9  }
0x33: {  	(xrf1) =	vsort.dscd.msk.f32 $0xffff, v2, v10;
	_ =	sdelay $0xc  }
0x34: {  	v2, v7, _ =	vpop @p0 (xrf1)  }
0x35: {  	(v2sf) =	vpush @p0 v2, $0x0;
	v9, v10, _ =	vpop (xrf1)  }
0x36: {  	(v2sf) =	vpush v9, $0x0;
	_ =	sdelay $0xd  }
0x37: {  	s17 =	spop @p0 (v2sf)  }
0x38: {  	s15 =	smov.u32 @p0 s17;
	s29 =	spop (v2sf)  }
0x39: {  	p2 =	sgt.f32 s29, s15  }
0x3a: {  	v6 =	vpsel p0, v7, v6;
	v1 =	vpsel p0, v2, v1  }
0x3b: {  	v2 =	vsel @p0 vm0, v5, v3;
	v5 =	vsel @p0 vm0, v8, v4;
	vm0 =	vlt.f32 @p2 v1, v9  }
0x3c: {  	(xrf1) =	vsort.ascd.msk.f32 @p0 $0xffff, v2, v5;
	v7 =	vsel @p2 vm0, v9, v1;
	v8 =	vsel @p2 vm0, v10, v6  }
0x3d: {  	(xrf1) =	vsort.dscd.msk.f32 @p2 $0xffff, v7, v8;
	_ =	sdelay $0xa  }
0x3e: {  	v2 =	vld [tilespmem:s16+$0x10];
	_ =	sdelay $0x1  }
0x3f: {  	v5, v7, _ =	vpop @p0 (xrf1)  }
0x40: {  	s30 =	simm.s32 $0x30;
	v3 =	vpsel p0, v5, v3;
	v5, v8, _ =	vpop @p2 (xrf1)  }
0x41: {  	v63 =	vor.u32 s30, v0;
	v4 =	vpsel p0, v7, v4;
	vm0 =	vlt.f32 @p2 v3, v5  }
0x42: {  	(xrf1) =	vsort.dscd.msk.f32 $0xffff, v2, v63;
	v2 =	vsel @p2 vm0, v3, v5;
	v7 =	vsel @p2 vm0, v4, v8  }
0x43: {  	(xrf1) =	vsort.ascd.msk.f32 @p2 $0xffff, v2, v7;
	_ =	sdelay $0xc  }
0x44: {  	v7, v9, _ =	vpop (xrf1)  }
0x45: {  	v2, v10, _ =	vpop @p2 (xrf1)  }
0x46: {  	(v2sf) =	vpush @p2 v2, $0x0  }
0x47: {  	(v2sf) =	vpush v7, $0x0;
	_ =	sdelay $0x4  }
0x48: {  	v8 =	vsel @p2 vm0, v8, v4;
	v5 =	vsel @p2 vm0, v5, v3  }
0x49: {  	(xrf1) =	vsort.ascd.msk.f32 @p2 $0xffff, v5, v8;
	_ =	sdelay $0x7  }
0x4a: {  	s16 =	spop @p2 (v2sf)  }
0x4b: {  	s15 =	smov.u32 @p2 s16;
	s31 =	spop (v2sf)  }
0x4c: {  	p1 =	sgt.f32 s31, s15  }
0x4d: {  	v1 =	vpsel p2, v2, v1  }
0x4e: {  	v2 =	vpsel p2, v10, v6;
	vm0 =	vlt.f32 @p1 v1, v7  }
0x4f: {  	v7 =	vsel @p1 vm0, v7, v1;
	v8 =	vsel @p1 vm0, v9, v2  }
0x50: {  	v5, v6, _ =	vpop @p2 (xrf1);
	(xrf1) =	vsort.dscd.msk.f32 @p1 $0xffff, v7, v8;
	_ =	sdelay $0x8  }
0x51: {  	v3 =	vpsel p2, v5, v3;
	v4 =	vpsel p2, v6, v4;
	s16 =	simm.s32 $0x60;
	s15 =	simm.s32 $0x0  }
.LBB2_3:
0x52: {  	v5 =	vld [tilespmem:s16+$0xFFFFFFE0];
	_ =	sdelay $0x2  }
0x53: {  	s15 =	sadd.s32 $0x4, s15;
	s14 =	sadd.s32 $0x40, s14  }
0x54: {  	v6 =	vor.u32 s14, v0;
	p0 =	slt.u32 s15, $0x7C;
	v7, v8, _ =	vpop @p1 (xrf1)  }
0x55: {  	(xrf1) =	vsort.dscd.msk.f32 $0xffff, v5, v6;
	vm0 =	vlt.f32 @p1 v3, v7  }
0x56: {  	v5 =	vsel @p1 vm0, v8, v4;
	v6 =	vsel @p1 vm0, v3, v7;
	v8 =	vsel @p1 vm0, v4, v8  }
0x57: {  	v7 =	vsel @p1 vm0, v7, v3;
	(xrf1) =	vsort.ascd.msk.f32 @p1 $0xffff, v6, v8  }
0x58: {  	(xrf1) =	vsort.ascd.msk.f32 @p1 $0xffff, v7, v5;
	_ =	sdelay $0xa  }
0x59: {  	v5, v6, _ =	vpop (xrf1);
	_ =	sdelay $0x1  }
0x5a: {  	v7, v8, _ =	vpop @p1 (xrf1)  }
0x5b: {  	(v2sf) =	vpush v5, $0x0;
	v1 =	vpsel p1, v7, v1;
	v2 =	vpsel p1, v8, v2;
	v7, v8, _ =	vpop @p1 (xrf1)  }
0x5c: {  	(v2sf) =	vpush v1, $0x0;
	v3 =	vpsel p1, v7, v3;
	v4 =	vpsel p1, v8, v4;
	_ =	sdelay $0xd  }
0x5d: {  	s18 =	spop (v2sf)  }
0x5e: {  	s17 =	spop (v2sf)  }
0x5f: {  	p2 =	sgt.f32 s18, s17;
	_ =	sdelay $0x1  }
0x60: {  	vm0 =	vlt.f32 @p2 v1, v5  }
0x61: {  	v5 =	vsel @p2 vm0, v5, v1;
	v6 =	vsel @p2 vm0, v6, v2  }
0x62: {  	(xrf1) =	vsort.dscd.msk.f32 @p2 $0xffff, v5, v6;
	_ =	sdelay $0xc  }
0x63: {  	v5 =	vld [tilespmem:s16+$0xFFFFFFF0]  }
0x64: {  	v6, v7, _ =	vpop @p2 (xrf1)  }
0x65: {  	vm0 =	vlt.f32 @p2 v3, v6  }
0x66: {  	s18 =	sadd.s32 $0x10, s14;
	v8 =	vsel @p2 vm0, v7, v4;
	v9 =	vsel @p2 vm0, v3, v6;
	v7 =	vsel @p2 vm0, v4, v7  }
0x67: {  	v10 =	vor.u32 s18, v0;
	(xrf1) =	vsort.ascd.msk.f32 @p2 $0xffff, v9, v7  }
0x68: {  	(xrf1) =	vsort.dscd.msk.f32 $0xffff, v5, v10;
	_ =	sdelay $0xc  }
0x69: {  	v5, v7, _ =	vpop @p2 (xrf1)  }
0x6a: {  	(v2sf) =	vpush @p2 v5, $0x0;
	v9, v10, _ =	vpop (xrf1)  }
0x6b: {  	(v2sf) =	vpush v9, $0x0;
	_ =	sdelay $0xd  }
0x6c: {  	s18 =	spop @p2 (v2sf)  }
0x6d: {  	s17 =	smov.u32 @p2 s18;
	s18 =	spop (v2sf)  }
0x6e: {  	p1 =	sgt.f32 s18, s17  }
0x6f: {  	v1 =	vpsel p2, v5, v1  }
0x70: {  	v5 =	vsel @p2 vm0, v6, v3;
	v2 =	vpsel p2, v7, v2;
	vm0 =	vlt.f32 @p1 v1, v9  }
0x71: {  	v6 =	vsel @p1 vm0, v9, v1;
	v7 =	vsel @p1 vm0, v10, v2;
	(xrf1) =	vsort.ascd.msk.f32 @p2 $0xffff, v5, v8  }
0x72: {  	(xrf1) =	vsort.dscd.msk.f32 @p1 $0xffff, v6, v7;
	_ =	sdelay $0xc  }
0x73: {  	v5 =	vld [tilespmem:s16+$0x0];
	v6, v7, _ =	vpop @p2 (xrf1)  }
0x74: {  	v3 =	vpsel p2, v6, v3;
	v6, v8, _ =	vpop @p1 (xrf1)  }
0x75: {  	v4 =	vpsel p2, v7, v4;
	vm0 =	vlt.f32 @p1 v3, v6  }
0x76: {  	s18 =	sadd.s32 $0x20, s14;
	v7 =	vsel @p1 vm0, v3, v6;
	v9 =	vsel @p1 vm0, v4, v8  }
0x77: {  	v10 =	vor.u32 s18, v0;
	(xrf1) =	vsort.ascd.msk.f32 @p1 $0xffff, v7, v9  }
0x78: {  	(xrf1) =	vsort.dscd.msk.f32 $0xffff, v5, v10;
	_ =	sdelay $0xc  }
0x79: {  	v5, v7, _ =	vpop @p1 (xrf1)  }
0x7a: {  	v2 =	vpsel p1, v7, v2;
	(v2sf) =	vpush @p1 v5, $0x0;
	v7, v9, _ =	vpop (xrf1)  }
0x7b: {  	(v2sf) =	vpush v7, $0x0;
	_ =	sdelay $0xd  }
0x7c: {  	s18 =	spop @p1 (v2sf)  }
0x7d: {  	s17 =	smov.u32 @p1 s18;
	s18 =	spop (v2sf)  }
0x7e: {  	p2 =	sgt.f32 s18, s17  }
0x7f: {  	v1 =	vpsel p1, v5, v1  }
0x80: {  	v5 =	vsel @p1 vm0, v6, v3;
	v6 =	vsel @p1 vm0, v8, v4;
	vm0 =	vlt.f32 @p2 v1, v7  }
0x81: {  	v7 =	vsel @p2 vm0, v7, v1;
	v8 =	vsel @p2 vm0, v9, v2;
	(xrf1) =	vsort.ascd.msk.f32 @p1 $0xffff, v5, v6  }
0x82: {  	(xrf1) =	vsort.dscd.msk.f32 @p2 $0xffff, v7, v8;
	_ =	sdelay $0x9  }
0x83: {  	v5 =	vld [tilespmem:s16+$0x10];
	_ =	sdelay $0x2  }
0x84: {  	s18 =	sadd.s32 $0x30, s14;
	v6, v7, _ =	vpop @p1 (xrf1)  }
0x85: {  	v3 =	vpsel p1, v6, v3;
	v6 =	vor.u32 s18, v0;
	v8, v9, _ =	vpop @p2 (xrf1)  }
0x86: {  	v4 =	vpsel p1, v7, v4;
	vm0 =	vlt.f32 @p2 v3, v8;
	(xrf1) =	vsort.dscd.msk.f32 $0xffff, v5, v6  }
0x87: {  	v5 =	vsel @p2 vm0, v9, v4;
	v6 =	vsel @p2 vm0, v3, v8;
	v7 =	vsel @p2 vm0, v4, v9  }
0x88: {  	v8 =	vsel @p2 vm0, v8, v3;
	(xrf1) =	vsort.ascd.msk.f32 @p2 $0xffff, v6, v7  }
0x89: {  	(xrf1) =	vsort.ascd.msk.f32 @p2 $0xffff, v8, v5;
	_ =	sdelay $0xa  }
0x8a: {  	v5, v6, _ =	vpop (xrf1);
	_ =	sdelay $0x1  }
0x8b: {  	v7, v8, _ =	vpop @p2 (xrf1)  }
0x8c: {  	v1 =	vpsel p2, v7, v1;
	v2 =	vpsel p2, v8, v2;
	v8, v9, _ =	vpop @p2 (xrf1);
	(v2sf) =	vpush @p2 v7, $0x0  }
0x8d: {  	v3 =	vpsel p2, v8, v3;
	v4 =	vpsel p2, v9, v4;
	(v2sf) =	vpush v5, $0x0;
	_ =	sdelay $0xd  }
0x8e: {  	s18 =	spop @p2 (v2sf)  }
0x8f: {  	s17 =	smov.u32 @p2 s18;
	s18 =	spop (v2sf)  }
0x90: {  	p1 =	sgt.f32 s18, s17;
	_ =	sdelay $0x1  }
0x91: {  	vm0 =	vlt.f32 @p1 v1, v5  }
0x92: {  	v5 =	vsel @p1 vm0, v5, v1;
	v6 =	vsel @p1 vm0, v6, v2  }
0x93: {  	(xrf1) =	vsort.dscd.msk.f32 @p1 $0xffff, v5, v6;
	_ =	sdelay $0x4  }
.Ltmp0:
0x94: {  	(pc) =	sbr.rel @p0 .LBB2_3-.Ltmp0, $2  }
0x95: {  	_ =	sdelay $0x2  }
0x96: {  	s16 =	sadd.s32 $0x40, s16  }
0x97: {  	_ =	sdelay $0x3  }
0x98: {  	v5, v6, _ =	vpop @p1 (xrf1)  }
0x99: {  	vm0 =	vlt.f32 @p1 v3, v5  }
0x9a: {  	v7 =	vsel @p1 vm0, v3, v5;
	v8 =	vsel @p1 vm0, v4, v6  }
0x9b: {  	v6 =	vsel @p1 vm0, v6, v4;
	v5 =	vsel @p1 vm0, v5, v3;
	(xrf1) =	vsort.ascd.msk.f32 @p1 $0xffff, v7, v8  }
0x9c: {  	(xrf1) =	vsort.ascd.msk.f32 @p1 $0xffff, v5, v6;
	_ =	sdelay $0xc  }
0x9d: {  	v5, v6, _ =	vpop @p1 (xrf1)  }
0x9e: {  	v7, v8, _ =	vpop @p1 (xrf1)  }
0x9f: {  	v3 =	vpsel p1, v7, v3;
	v63 =	vpsel p1, v8, v4  }
0xa0: {  	(xrf1) =	vsort.dscd.msk.f32 $0xffff, v3, v63  }
0xa1: {  	v1 =	vpsel p1, v5, v1;
	v2 =	vpsel p1, v6, v2  }
0xa2: {  	(xrf1) =	vsort.dscd.msk.f32 $0xffff, v1, v2;
	_ =	sdelay $0xb  }
0xa3: {  	v1, v2, _ =	vpop (xrf1)  }
0xa4: {  	[tilespmem:$0x800] =	vst v1  }
0xa5: {  	v3, v4, _ =	vpop (xrf1);
	[tilespmem:$0x880] =	vst v2  }
0xa6: {  	s13 =	sshll.u32 s13, $0x2;
	[tilespmem:$0x810] =	vst v3  }
0xa7: {  	s14 =	sadd.s32 s4, s13;
	[tilespmem:$0x890] =	vst v4  }
0xa8: {  	[hbm4b:s14+s2] =	stream.linear.scatter [tilespmem:s9], [sflag:$0x1], $0x20, $0x38;
	[tilespmem:$0x900] =	vst v63  }
0xa9: {  	s12 =	sadd.s32 $0x1, s12;
	_ =	swait.ge [sflag:s8], $0x20  }
0xaa: {  	p0 =	sne.s32 s12, $0x4;
	[sflag:s8] =	ssyncset.done $0x0  }
.Ltmp1:
0xab: {  	s13 =	sadd.s32 s5, s13;
	[sflag:s8] =	ssyncadd.s32 $0xFFFFFFE0;
	(pc) =	sbr.rel @p0 .LBB2_2-.Ltmp1, $4  }
0xac: {  	[hbm4b:s13+s2] =	stream.linear.scatter [tilespmem:s10], [sflag:$0x1], $0x20, $0x38;
	[tilespmem:$0x900] =	vst v63  }
0xad: {  	_ =	swait.ge [sflag:s8], $0x20  }
0xae: {  	[sflag:s8] =	ssyncset.done $0x0  }
0xaf: {  	[sflag:s8] =	ssyncadd.s32 $0xFFFFFFE0  }
0xb0: {  	s11 =	sadd.s32 $0x1, s11  }
0xb1: {  	p0 =	sne.s32 s11, s7  }
.Ltmp2:
0xb2: {  	_ = 	snop;
	(pc) =	sbr.rel @p0 .LBB2_1-.Ltmp2, $1  }
0xb3: {  	_ =	sdelay $0x3  }
0xb4: {  	_ =	sfence.sel $0x180000  }
0xb5: {  	[bflag:$0x0] =	sbarrier.arrive $0xFFFF  }
0xb6: {  	p0 =	sne.s32 s3, $0x0;
	_ =	strace $0x90000047  }
0xb7: {  	s0 =	sadd.s32 @!p0 $0x100000, s0;
	[bflag:$0x2] =	sbarrier.arrive $0xFFFF  }
0xb8: {  	[sflag:s0] =	ssyncadd.tile.s32 @!p0 $0x1;
	_ =	shalt  }
.Lfunc_end2:
_tile_overlayer_lowered:
.L_overlay_start_2:
0xb9: {  	(tag) =	ssettag $0x2  }
0xba: {  	s0 =	rddreg [dreg:$0x0];
	s2 =	stileid.u32  }
0xbb: {  	s1 =	rddreg [dreg:$0x1];
	p0 =	sne.s32 s2, $0x0  }
0xbc: {  	s3 =	rddreg [dreg:$0x2];
	[bflag:$0x3] =	sbarrier.arrive $0xFFFF;
	s2 =	simm.s32 @!p0 $0x1C01  }
0xbd: {  	[timem:s3], [sflag:s2] =	dma.local @!p0 [hbm:s0], s1  }
0xbe: {  	s0 =	simm.s32 @!p0 $0x1  }
0xbf: {  	_ =	swait.ge @!p0 [sflag:s0], s1  }
0xc0: {  	s1 =	ssub.s32 @!p0 $0x0, s1;
	[sflag:s0] =	ssyncset.done @!p0 $0x0  }
0xc1: {  	[sflag:s0] =	ssyncadd.s32 @!p0 s1  }
0xc2: {  	[bflag:$0x3] =	sbarrier.arrive $0xFFFF  }
0xc3: {  	_ =	shalt  }

// kernel: kernel.7.cloned.1.call-start
scs
__scs_entry_jumppad:
0x0: {  	(pc) =	sbr.rel $0x88, $3  }
0x1: {  	(tag) =	ssettag $0x0;
	lr =	simm.s32 $0x1  }
0x2: {  	[smem:$0x3F9F] =	sst lr;
	_ =	strace $0xD0000000  }
0x3: {  	_ = 	snop  }
0x4: {  	_ = 	snop  }
0x5: {  	_ = 	snop  }
0x6: {  	_ = 	snop  }
0x7: {  	_ = 	snop  }
__scs_overlays_trampoline_lowered:
0x8: {  	[smem:$0x3FAE] =	sst s0  }
0x9: {  	[smem:$0x3FAF] =	sst s1  }
0xa: {  	[smem:$0x3FB0] =	sst s2  }
0xb: {  	[smem:$0x3FB1] =	sst s3  }
0xc: {  	[smem:$0x3FB2] =	sst s4  }
0xd: {  	[smem:$0x3FB3] =	sst s5  }
0xe: {  	[smem:$0x3FB4] =	sst s6  }
0xf: {  	[smem:$0x3FB5] =	sst s7  }
0x10: {  	[smem:$0x3FB6] =	sst s8  }
0x11: {  	[smem:$0x3FB7] =	sst s9;
	s0 =	simm.s32 @!p0 $0x0  }
0x12: {  	s1 =	sld [smem:$0x3F9D];
	s0 =	simm.s32 @p0 $0x1  }
0x13: {  	[smem:$0x3FB8] =	sst s0;
	s0 =	simm.s32 @!p1 $0x0  }
0x14: {  	s2 =	sld [smem:$0x3F9C];
	s0 =	simm.s32 @p1 $0x1  }
0x15: {  	[smem:$0x3FB9] =	sst s0;
	s0 =	simm.s32 @!p2 $0x0  }
0x16: {  	s3 =	sld [smem:$0x3FDB];
	s0 =	simm.s32 @p2 $0x1  }
0x17: {  	s4 =	simm.s32 $0x1BF5;
	[smem:$0x3FBB] =	sst s0  }
0x18: {  	s0 =	sld [smem:$0x3F9E];
	_ =	swait.ge [sflag:s4], $0x0  }
0x19: {  	s7 =	sld [smem:$0x3F9F]  }
0x1a: {  	s8 =	sadd.s32 $0xFFFFE003, lr  }
0x1b: {  	s9 =	sadd.s32 $0xFFFFFEF7, lr;
	s5 =	simm.s32 $0xFFFFFFFF;
	p2 =	slt.u32 s8, $0xFFFFF086  }
0x1c: {  	p1 =	slt.u32 s9, $0xF7A;
	s5 =	simm.s32 @!p2 $0x0  }
0x1d: {  	s5 =	simm.s32 @p1 $0x1;
	p0 =	seq.s32 s7, s2  }
0x1e: {  	s7 =	smul.u32 @!p0 $0xF7A, s2;
	p2 =	seq.s32 @!p0 s5, $0x0  }
0x1f: {  	s9 =	smul.u32 $0xF7A, s1;
	s8 =	simm.s32 @!p0 $0x1BF5;
	p2 =	por !p2, p0  }
0x20: {  	[sflag:s8] =	ssyncset.s32 @!p0 $0xFFFFF086;
	s6 =	sadd.s32 @!p0 s3, s7;
	s7 =	simm.s32 @!p0 $0x108  }
0x21: {  	s3 =	sadd.s32 s3, s9;
	s6 =	sadd.s32 @!p0 $0x88, s6;
	s7 =	simm.s32 @p2 $0x1082  }
0x22: {  	[simem:s7], [sflag:s8] =	dma.local @!p0 [hbm:s6], $0xF7A  }
0x23: {  	s9 =	sor.u32 $0xD0000000, s2;
	s6 =	simm.s32 $0x108;
	_ =	swait.ge @!p0 [sflag:s8], $0x0  }
0x24: {  	s3 =	sadd.s32 $0x88, s3;
	s6 =	simm.s32 @!p1 $0x1082;
	[sflag:s4] =	ssyncset.s32 $0xFFFFF086  }
0x25: {  	[simem:s6], [sflag:s4] =	dma.local [hbm:s3], $0xF7A  }
0x26: {  	[smem:$0x3F9F] =	sst s1;
	(tag) =	ssettag s2;
	_ =	strace s9  }
0x27: {  	s1 =	sld [smem:$0x3FAF]  }
0x28: {  	s2 =	sld [smem:$0x3FB0]  }
0x29: {  	s4 =	sld [smem:$0x3FB2]  }
0x2a: {  	p0 =	seq.s32 s5, $0x0;
	s5 =	sld [smem:$0x3FB3]  }
0x2b: {  	s6 =	sld [smem:$0x3FB4]  }
0x2c: {  	s7 =	sld [smem:$0x3FB5]  }
0x2d: {  	s3 =	simm.s32 $0x108;
	s8 =	sld [smem:$0x3FB6]  }
0x2e: {  	s3 =	simm.s32 @!p0 $0x1082;
	s9 =	sld [smem:$0x3FB7]  }
0x2f: {  	lr =	sadd.s32 s0, s3;
	s0 =	sld [smem:$0x3FAE]  }
0x30: {  	s3 =	sld [smem:$0x3FB1]  }
0x31: {  	[smem:$0x3FBA] =	sst s10  }
0x32: {  	s10 =	sld [smem:$0x3FB8];
	_ =	sdelay $0x3  }
0x33: {  	p0 =	seq.s32 s10, $0x1;
	s10 =	sld [smem:$0x3FBA];
	_ =	sdelay $0x3  }
0x34: {  	[smem:$0x3FBA] =	sst s10  }
0x35: {  	s10 =	sld [smem:$0x3FB9];
	_ =	sdelay $0x3  }
0x36: {  	p1 =	seq.s32 s10, $0x1;
	s10 =	sld [smem:$0x3FBA];
	_ =	sdelay $0x3  }
0x37: {  	[smem:$0x3FBA] =	sst s10  }
0x38: {  	s10 =	sld [smem:$0x3FBB]  }
0x39: {  	_ = 	snop;
	(pc) =	sbr.ind lr, $3  }
0x3a: {  	_ = 	snop  }
0x3b: {  	_ = 	snop  }
0x3c: {  	p2 =	seq.s32 s10, $0x1;
	s10 =	sld [smem:$0x3FBA]  }
0x3d: {  	_ =	shalt  }
0x3e: {  	_ =	shalt  }
0x3f: {  	_ =	shalt  }
0x40: {  	_ =	shalt  }
0x41: {  	_ =	shalt  }
0x42: {  	_ =	shalt  }
0x43: {  	_ =	shalt  }
0x44: {  	_ =	shalt  }
0x45: {  	_ =	shalt  }
0x46: {  	_ =	shalt  }
0x47: {  	_ =	shalt  }
0x48: {  	_ =	shalt  }
0x49: {  	_ =	shalt  }
0x4a: {  	_ =	shalt  }
0x4b: {  	_ =	shalt  }
0x4c: {  	_ =	shalt  }
0x4d: {  	_ =	shalt  }
0x4e: {  	_ =	shalt  }
0x4f: {  	_ =	shalt  }
0x50: {  	_ =	shalt  }
0x51: {  	_ =	shalt  }
0x52: {  	_ =	shalt  }
0x53: {  	_ =	shalt  }
0x54: {  	_ =	shalt  }
0x55: {  	_ =	shalt  }
0x56: {  	_ =	shalt  }
0x57: {  	_ =	shalt  }
0x58: {  	_ =	shalt  }
0x59: {  	_ =	shalt  }
0x5a: {  	_ =	shalt  }
0x5b: {  	_ =	shalt  }
0x5c: {  	_ =	shalt  }
0x5d: {  	_ =	shalt  }
0x5e: {  	_ =	shalt  }
0x5f: {  	_ =	shalt  }
0x60: {  	_ =	shalt  }
0x61: {  	_ =	shalt  }
0x62: {  	_ =	shalt  }
0x63: {  	_ =	shalt  }
0x64: {  	_ =	shalt  }
0x65: {  	_ =	shalt  }
0x66: {  	_ =	shalt  }
0x67: {  	_ =	shalt  }
0x68: {  	_ =	shalt  }
0x69: {  	_ =	shalt  }
0x6a: {  	_ =	shalt  }
0x6b: {  	_ =	shalt  }
0x6c: {  	_ =	shalt  }
0x6d: {  	_ =	shalt  }
0x6e: {  	_ =	shalt  }
0x6f: {  	_ =	shalt  }
0x70: {  	_ =	shalt  }
0x71: {  	_ =	shalt  }
0x72: {  	_ =	shalt  }
0x73: {  	_ =	shalt  }
0x74: {  	_ =	shalt  }
0x75: {  	_ =	shalt  }
0x76: {  	_ =	shalt  }
0x77: {  	_ =	shalt  }
0x78: {  	_ =	shalt  }
0x79: {  	_ =	shalt  }
0x7a: {  	_ =	shalt  }
0x7b: {  	_ =	shalt  }
0x7c: {  	_ =	shalt  }
0x7d: {  	_ =	shalt  }
0x7e: {  	_ =	shalt  }
0x7f: {  	_ =	shalt  }
0x80: {  	_ =	shalt  }
0x81: {  	_ =	shalt  }
0x82: {  	_ =	shalt  }
0x83: {  	_ =	shalt  }
0x84: {  	_ =	shalt  }
0x85: {  	_ =	shalt  }
0x86: {  	_ =	shalt  }
0x87: {  	_ =	shalt  }
.Lfunc_end0:
.L_simem_size_0:
called_computation_lowered:
.L_overlay_start_0:
0x88: {  	s2 =	sld [smem:$0x3FD9]  }
0x89: {  	s3 =	sld [smem:$0x3FFE];
	_ =	sdelay $0x1  }
0x8a: {  	s1 =	srdreg.scid  }
0x8b: {  	s0 =	sand.u32 $0x1, s1  }
0x8c: {  	s15 =	sshll.u32 s0, $0xA;
	s2 =	sadd.s32 s3, s2  }
0x8d: {  	s2 =	sadd.s32 s2, s15  }
0x8e: {  	[smem:$0x3FC6] =	sst s2  }
0x8f: {  	_ = 	snop  }
0x90: {  	s2 =	sld [smem:$0x3FD0];
	_ =	sdelay $0x2  }
0x91: {  	s4 =	simm.s32 $0xB;
	s16 =	simm.s32 $0x10  }
0x92: {  	[smem:s16], [sflag:s4] =	dma.local [hbm:s2], $0x1  }
0x93: {  	_ =	swait.eq [sflag:s4], $0x1  }
0x94: {  	[sflag:s4] =	ssyncset.done $0x0  }
0x95: {  	s17 =	sld [smem:$0x10];
	[sflag:s4] =	ssyncadd.s32 $0xFFFFFFFF  }
0x96: {  	s18 =	sld [smem:$0x12];
	(tm) =	ssettm $0x1  }
0x97: {  	s19 =	sld [smem:$0x3FFB];
	_ =	sdelay $0x3  }
0x98: {  	_ =	strace s19  }
0x99: {  	s2 =	sld [smem:$0x3FFC];
	_ =	sdelay $0x3  }
0x9a: {  	_ =	strace s2  }
0x9b: {  	s2 =	sld [smem:$0x3FFD];
	_ =	sdelay $0x3  }
0x9c: {  	_ =	strace s2  }
0x9d: {  	_ =	strace $0x8FFFFFFF  }
0x9e: {  	s20 =	sld [smem:$0x3FDB];
	_ =	sdelay $0x1  }
0x9f: {  	s5 =	simm.s32 $_scs_section_size  }
0xa0: {  	s6 =	simm.s32 $_size__tile_overlayer_lowered;
	s7 =	simm.s32 $_tile_overlayer_lowered  }
0xa1: {  	s8 =	simm.s32 $0x1BFF;
	s21 =	sshll.u32 s7, $0x1;
	s5 =	sadd.s32 s5, s20  }
0xa2: {  	s22 =	simm.s32 $0x0;
	s6 =	sshll.u32 s6, $0x1;
	s7 =	sadd.s32 s21, s5  }
0xa3: {  	[timem:s22], [sflag:s8] =	dma.local [hbm:s7], s6  }
0xa4: {  	_ =	swait.ge [sflag:s8], s6  }
0xa5: {  	s6 =	ssub.s32 $0x0, s6;
	[sflag:s8] =	ssyncset.done $0x0  }
0xa6: {  	[sflag:s8] =	ssyncadd.s32 s6;
	_ =	sdelay $0x1  }
0xa7: {  	s23 =	simm.s32 $0x1B8B  }
0xa8: {  	_ =	swait.ge [sflag:s23], $0x1  }
0xa9: {  	[sflag:s23] =	ssyncset.done $0x0  }
0xaa: {  	[sflag:s23] =	ssyncadd.s32 $0xFFFFFFFF  }
0xab: {  	s6 =	sld [smem:$0x0]  }
0xac: {  	s7 =	sand.u32 $0xFFFFFFFE, s1  }
0xad: {  	p0 =	sne.s32 s1, s7  }
0xae: {  	s7 =	sshll.u32 @p0 s7, $0xE  }
0xaf: {  	s7 =	sadd.s32 @p0 $0x11B8D, s7;
	s8 =	sshll.u32 @p0 s6, $0x11  }
0xb0: {  	s7 =	sor.u32 @p0 s8, s7  }
0xb1: {  	[sflag:s7] =	ssyncadd.remote.s32 @p0 $0x1;
	_ =	sdelay $0x1  }
0xb2: {  	s7 =	simm.s32 @p0 $0x1B8D  }
0xb3: {  	_ =	swait.eq @p0 [sflag:s7], $0x1  }
0xb4: {  	[sflag:s7] =	ssyncadd.s32 @p0 $0xFFFFFFFF  }
0xb5: {  	s8 =	sshll.u32 @!p0 s1, $0xE  }
0xb6: {  	s8 =	sor.u32 @!p0 $0x4000, s8;
	s7 =	simm.s32 @!p0 $0x1B8D  }
0xb7: {  	s6 =	sshll.u32 @!p0 s6, $0x11;
	s8 =	sadd.s32 @!p0 $0x11B8D, s8;
	_ =	swait.eq @!p0 [sflag:s7], $0x1  }
0xb8: {  	s6 =	sor.u32 @!p0 s6, s8;
	[sflag:s7] =	ssyncadd.s32 @!p0 $0xFFFFFFFF  }
0xb9: {  	s25 =	simm.s32 $0x1B8E;
	s24 =	sld [smem:$0x3FFE];
	[sflag:s6] =	ssyncadd.remote.s32 @!p0 $0x1  }
0xba: {  	s26 =	simm.s32 $execute0_lowered;
	[smem:$0x3FD2] =	sst s25  }
0xbb: {  	s7 =	sshll.u32 s26, $0x1;
	_ =	strace $0x80000049;
	[dreg:$0x1] =	wrdreg $0xFFFFFFFF  }
0xbc: {  	s28 =	simm.s32 $_size_execute0_lowered;
	s5 =	sadd.s32 s5, s7;
	[dreg:$0x0] =	wrdreg $0x0  }
0xbd: {  	s7 =	sshll.u32 s28, $0x1;
	[dreg:$0x2] =	wrdreg s5  }
0xbe: {  	[dreg:$0x3] =	wrdreg s7  }
0xbf: {  	[dreg:$0x4] =	wrdreg $0xC0  }
0xc0: {  	_ =	task [dreg:s22], $0x5FFFF  }
0xc1: {  	[dreg:$0x1] =	wrdreg $0xFFFFFFFF  }
0xc2: {  	[dreg:$0x0] =	wrdreg $0x60  }
0xc3: {  	[dreg:$0x2] =	wrdreg s24  }
0xc4: {  	[dreg:$0x3] =	wrdreg s18  }
0xc5: {  	[dreg:$0x4] =	wrdreg s17  }
0xc6: {  	[dreg:$0x5] =	wrdreg $0x9  }
0xc7: {  	_ =	task.clear_ibuf [dreg:s22], $0x6FFFF;
	_ =	strace $0x90000049  }
0xc8: {  	s29 =	simm.s32 $0x9;
	_ =	strace $0x8000004B  }
0xc9: {  	_ =	swait.ge [sflag:s29], $0x1  }
0xca: {  	[sflag:s29] =	ssyncadd.s32 $0xFFFFFFFF  }
0xcb: {  	_ =	strace $0x9000004B  }
0xcc: {  	_ =	sfence  }
0xcd: {  	s30 =	sld [smem:$0x0];
	_ =	sdelay $0x2  }
0xce: {  	s31 =	sshll.u32 s1, $0xD;
	s1 =	sshrl.u32 s1, $0x2  }
0xcf: {  	s4 =	sand.u32 $0x4000, s31;
	s1 =	sadd.s32 s1, s30  }
0xd0: {  	s0 =	sor.u32 s4, s0;
	s1 =	sshll.u32 s1, $0x11  }
0xd1: {  	s0 =	sor.u32 s1, s0  }
0xd2: {  	s0 =	sadd.s32 $0x8F2B, s0  }
0xd3: {  	[sflag:s0] =	ssyncadd.remote.s32 $0x1  }
0xd4: {  	_ =	sfence.sel $0xFFFF  }
0xd5: {  	[dreg:$0x0] =	wrdreg $0xFFFFFFFF;
	(pc) =	sbr.abs _section_cstart, $3  }
0xd6: {  	[dreg:$0x1] =	wrdreg $0xFFFFFFFF  }
0xd7: {  	_ =	task.clear_ibuf [dreg:s22], $0x2FFFF;
	_ =	strace $0x9FFFFFFF  }
0xd8: {  	(tm) =	ssettm $0x7FFFFFFF  }
0xd9: {  	_ =	shalt  }
tec
execute0_lowered:
.L_overlay_start_1:
0x0: {  	(tag) =	ssettag $0x1  }
0x1: {  	s4 =	rddreg [dreg:$0x0]  }
0x2: {  	s1 =	rddreg [dreg:$0x1]  }
0x3: {  	s2 =	rddreg [dreg:$0x2]  }
0x4: {  	s0 =	rddreg [dreg:$0x3]  }
0x5: {  	s3 =	simm.s32 $0x0;
	s5 =	srdreg.scid;
	s9 =	simm.s32 $0x800  }
0x6: {  	s10 =	simm.s32 $0x880;
	s11 =	simm.s32 $0x0;
	s6 =	sand.u32 $0x1, s5  }
0x7: {  	[smem:$0x7FF] =	sst s3;
	s5 =	sadd.s32 $0x1600, s4;
	s7 =	ssub.s32 $0x2, s6  }
0x8: {  	s4 =	stileid.u32;
	_ =	strace $0x8000004A;
	s8 =	sshrl.u32 s7, $0x1  }
0x9: {  	s31 =	sshll.u32 s4, $0x3;
	s6 =	sshll.u32 s6, $0x2;
	s7 =	ssub.s32 s7, s8  }
0xa: {  	v0 =	vlaneseq.u32;
	s6 =	sor.u32 s6, s31;
	s8 =	simm.s32 $0x1;
	s7 =	smax.u32 s7, $0x1  }
.LBB2_1:
0xb: {  	s12 =	simm.s32 $0x0  }
.LBB2_2:
0xc: {  	s13 =	sadd.s32 s6, s12  }
0xd: {  	s14 =	sshll.u32 s13, $0x8  }
0xe: {  	s15 =	sadd.s32 s5, s14;
	s14 =	simm.s32 $0x0  }
0xf: {  	[tilespmem:s14], [sflag:$0x1] =	stream.linear.gather [hbm4b:s15+s14], $0x800, $0x38;
	[tilespmem:$0x900] =	vst v63  }
0x10: {  	_ =	swait.ge [sflag:s8], $0x800  }
0x11: {  	[sflag:s8] =	ssyncset.done $0x0  }
0x12: {  	s16 =	simm.s32 $0x20;
	[sflag:s8] =	ssyncadd.s32 $0xFFFFF800  }
0x13: {  	v1 =	vld [tilespmem:s16+$0xFFFFFFE0];
	_ =	sdelay $0x3  }
0x14: {  	v2 =	vor.u32 s14, v0  }
0x15: {  	(xrf1) =	vsort.dscd.msk.f32 $0xffff, v1, v2;
	_ =	sdelay $0xd  }
0x16: {  	v1, v2, _ =	vpop (xrf1)  }
0x17: {  	v3 =	vimm.f32 $-Inf;
	(v2sf) =	vpush v1, $0x0  }
0x18: {  	(v2sf) =	vpush v3, $0x0;
	_ =	sdelay $0xd  }
0x19: {  	s17 =	spop (v2sf)  }
0x1a: {  	s15 =	spop (v2sf)  }
0x1b: {  	p1 =	sgt.f32 s17, s15;
	_ =	sdelay $0x1  }
0x1c: {  	v4 =	vimm.s32 $0x0;
	vm0 =	vlt.f32 @p1 v3, v1  }
0x1d: {  	v1 =	vsel @p1 vm0, v1, v3;
	v2 =	vsel @p1 vm0, v2, v4  }
0x1e: {  	(xrf1) =	vsort.dscd.msk.f32 @p1 $0xffff, v1, v2;
	_ =	sdelay $0xc  }
0x1f: {  	v1 =	vld [tilespmem:s16+$0xFFFFFFF0]  }
0x20: {  	v2, v5, _ =	vpop @p1 (xrf1)  }
0x21: {  	vm0 =	vlt.f32 @p1 v3, v2  }
0x22: {  	s25 =	simm.s32 $0x10;
	v6 =	vsel @p1 vm0, v3, v2;
	v7 =	vsel @p1 vm0, v4, v5  }
0x23: {  	v8 =	vor.u32 s25, v0;
	(xrf1) =	vsort.ascd.msk.f32 @p1 $0xffff, v6, v7  }
0x24: {  	(xrf1) =	vsort.dscd.msk.f32 $0xffff, v1, v8;
	_ =	sdelay $0xc  }
0x25: {  	v1, v6, _ =	vpop @p1 (xrf1)  }
0x26: {  	(v2sf) =	vpush @p1 v1, $0x0;
	v7, v8, _ =	vpop (xrf1)  }
0x27: {  	(v2sf) =	vpush v7, $0x0;
	_ =	sdelay $0xd  }
0x28: {  	s17 =	spop @p1 (v2sf)  }
0x29: {  	s15 =	smov.u32 @p1 s17;
	s26 =	spop (v2sf)  }
0x2a: {  	p0 =	sgt.f32 s26, s15  }
0x2b: {  	v5 =	vsel @p1 vm0, v5, v4;
	v1 =	vpsel p1, v1, v3  }
0x2c: {  	v2 =	vsel @p1 vm0, v2, v3;
	v6 =	vpsel p1, v6, v4;
	vm0 =	vlt.f32 @p0 v1, v7  }
0x2d: {  	(xrf1) =	vsort.ascd.msk.f32 @p1 $0xffff, v2, v5;
	v7 =	vsel @p0 vm0, v7, v1;
	v8 =	vsel @p0 vm0, v8, v6  }
0x2e: {  	(xrf1) =	vsort.dscd.msk.f32 @p0 $0xffff, v7, v8;
	_ =	sdelay $0xc  }
0x2f: {  	v2 =	vld [tilespmem:s16+$0x0];
	v5, v7, _ =	vpop @p1 (xrf1)  }
0x30: {  	v3 =	vpsel p1, v5, v3;
	v5, v8, _ =	vpop @p0 (xrf1)  }
0x31: {  	v4 =	vpsel p1, v7, v4;
	vm0 =	vlt.f32 @p0 v3, v5  }
0x32: {  	s28 =	simm.s32 $0x20;
	v7 =	vsel @p0 vm0, v3, v5;
	v9 =	vsel @p0 vm0, v4, v8  }
0x33: {  	v10 =	vor.u32 s28, v0;
	(xrf1) =	vsort.ascd.msk.f32 @p0 $0xffff, v7, v9  }
0x34: {  	(xrf1) =	vsort.dscd.msk.f32 $0xffff, v2, v10;
	_ =	sdelay $0xc  }
0x35: {  	v2, v7, _ =	vpop @p0 (xrf1)  }
0x36: {  	(v2sf) =	vpush @p0 v2, $0x0;
	v9, v10, _ =	vpop (xrf1)  }
0x37: {  	(v2sf) =	vpush v9, $0x0;
	_ =	sdelay $0xd  }
0x38: {  	s17 =	spop @p0 (v2sf)  }
0x39: {  	s15 =	smov.u32 @p0 s17;
	s29 =	spop (v2sf)  }
0x3a: {  	p2 =	sgt.f32 s29, s15  }
0x3b: {  	v6 =	vpsel p0, v7, v6;
	v1 =	vpsel p0, v2, v1  }
0x3c: {  	v2 =	vsel @p0 vm0, v5, v3;
	v5 =	vsel @p0 vm0, v8, v4;
	vm0 =	vlt.f32 @p2 v1, v9  }
0x3d: {  	(xrf1) =	vsort.ascd.msk.f32 @p0 $0xffff, v2, v5;
	v7 =	vsel @p2 vm0, v9, v1;
	v8 =	vsel @p2 vm0, v10, v6  }
0x3e: {  	(xrf1) =	vsort.dscd.msk.f32 @p2 $0xffff, v7, v8;
	_ =	sdelay $0xa  }
0x3f: {  	v2 =	vld [tilespmem:s16+$0x10];
	_ =	sdelay $0x1  }
0x40: {  	v5, v7, _ =	vpop @p0 (xrf1)  }
0x41: {  	s30 =	simm.s32 $0x30;
	v3 =	vpsel p0, v5, v3;
	v5, v8, _ =	vpop @p2 (xrf1)  }
0x42: {  	v63 =	vor.u32 s30, v0;
	v4 =	vpsel p0, v7, v4;
	vm0 =	vlt.f32 @p2 v3, v5  }
0x43: {  	(xrf1) =	vsort.dscd.msk.f32 $0xffff, v2, v63;
	v2 =	vsel @p2 vm0, v3, v5;
	v7 =	vsel @p2 vm0, v4, v8  }
0x44: {  	(xrf1) =	vsort.ascd.msk.f32 @p2 $0xffff, v2, v7;
	_ =	sdelay $0xc  }
0x45: {  	v7, v9, _ =	vpop (xrf1)  }
0x46: {  	v2, v10, _ =	vpop @p2 (xrf1)  }
0x47: {  	(v2sf) =	vpush @p2 v2, $0x0  }
0x48: {  	(v2sf) =	vpush v7, $0x0;
	_ =	sdelay $0x4  }
0x49: {  	v8 =	vsel @p2 vm0, v8, v4;
	v5 =	vsel @p2 vm0, v5, v3  }
0x4a: {  	(xrf1) =	vsort.ascd.msk.f32 @p2 $0xffff, v5, v8;
	_ =	sdelay $0x7  }
0x4b: {  	s16 =	spop @p2 (v2sf)  }
0x4c: {  	s15 =	smov.u32 @p2 s16;
	s31 =	spop (v2sf)  }
0x4d: {  	p1 =	sgt.f32 s31, s15  }
0x4e: {  	v1 =	vpsel p2, v2, v1  }
0x4f: {  	v2 =	vpsel p2, v10, v6;
	vm0 =	vlt.f32 @p1 v1, v7  }
0x50: {  	v7 =	vsel @p1 vm0, v7, v1;
	v8 =	vsel @p1 vm0, v9, v2  }
0x51: {  	v5, v6, _ =	vpop @p2 (xrf1);
	(xrf1) =	vsort.dscd.msk.f32 @p1 $0xffff, v7, v8;
	_ =	sdelay $0x8  }
0x52: {  	v3 =	vpsel p2, v5, v3;
	v4 =	vpsel p2, v6, v4;
	s16 =	simm.s32 $0x60;
	s15 =	simm.s32 $0x0  }
.LBB2_3:
0x53: {  	v5 =	vld [tilespmem:s16+$0xFFFFFFE0];
	_ =	sdelay $0x2  }
0x54: {  	s15 =	sadd.s32 $0x4, s15;
	s14 =	sadd.s32 $0x40, s14  }
0x55: {  	v6 =	vor.u32 s14, v0;
	p0 =	slt.u32 s15, $0x7C;
	v7, v8, _ =	vpop @p1 (xrf1)  }
0x56: {  	(xrf1) =	vsort.dscd.msk.f32 $0xffff, v5, v6;
	vm0 =	vlt.f32 @p1 v3, v7  }
0x57: {  	v5 =	vsel @p1 vm0, v8, v4;
	v6 =	vsel @p1 vm0, v3, v7;
	v8 =	vsel @p1 vm0, v4, v8  }
0x58: {  	v7 =	vsel @p1 vm0, v7, v3;
	(xrf1) =	vsort.ascd.msk.f32 @p1 $0xffff, v6, v8  }
0x59: {  	(xrf1) =	vsort.ascd.msk.f32 @p1 $0xffff, v7, v5;
	_ =	sdelay $0xa  }
0x5a: {  	v5, v6, _ =	vpop (xrf1);
	_ =	sdelay $0x1  }
0x5b: {  	v7, v8, _ =	vpop @p1 (xrf1)  }
0x5c: {  	(v2sf) =	vpush v5, $0x0;
	v1 =	vpsel p1, v7, v1;
	v2 =	vpsel p1, v8, v2;
	v7, v8, _ =	vpop @p1 (xrf1)  }
0x5d: {  	(v2sf) =	vpush v1, $0x0;
	v3 =	vpsel p1, v7, v3;
	v4 =	vpsel p1, v8, v4;
	_ =	sdelay $0xd  }
0x5e: {  	s18 =	spop (v2sf)  }
0x5f: {  	s17 =	spop (v2sf)  }
0x60: {  	p2 =	sgt.f32 s18, s17;
	_ =	sdelay $0x1  }
0x61: {  	vm0 =	vlt.f32 @p2 v1, v5  }
0x62: {  	v5 =	vsel @p2 vm0, v5, v1;
	v6 =	vsel @p2 vm0, v6, v2  }
0x63: {  	(xrf1) =	vsort.dscd.msk.f32 @p2 $0xffff, v5, v6;
	_ =	sdelay $0xc  }
0x64: {  	v5 =	vld [tilespmem:s16+$0xFFFFFFF0]  }
0x65: {  	v6, v7, _ =	vpop @p2 (xrf1)  }
0x66: {  	vm0 =	vlt.f32 @p2 v3, v6  }
0x67: {  	s18 =	sadd.s32 $0x10, s14;
	v8 =	vsel @p2 vm0, v7, v4;
	v9 =	vsel @p2 vm0, v3, v6;
	v7 =	vsel @p2 vm0, v4, v7  }
0x68: {  	v10 =	vor.u32 s18, v0;
	(xrf1) =	vsort.ascd.msk.f32 @p2 $0xffff, v9, v7  }
0x69: {  	(xrf1) =	vsort.dscd.msk.f32 $0xffff, v5, v10;
	_ =	sdelay $0xc  }
0x6a: {  	v5, v7, _ =	vpop @p2 (xrf1)  }
0x6b: {  	(v2sf) =	vpush @p2 v5, $0x0;
	v9, v10, _ =	vpop (xrf1)  }
0x6c: {  	(v2sf) =	vpush v9, $0x0;
	_ =	sdelay $0xd  }
0x6d: {  	s18 =	spop @p2 (v2sf)  }
0x6e: {  	s17 =	smov.u32 @p2 s18;
	s18 =	spop (v2sf)  }
0x6f: {  	p1 =	sgt.f32 s18, s17  }
0x70: {  	v1 =	vpsel p2, v5, v1  }
0x71: {  	v5 =	vsel @p2 vm0, v6, v3;
	v2 =	vpsel p2, v7, v2;
	vm0 =	vlt.f32 @p1 v1, v9  }
0x72: {  	v6 =	vsel @p1 vm0, v9, v1;
	v7 =	vsel @p1 vm0, v10, v2;
	(xrf1) =	vsort.ascd.msk.f32 @p2 $0xffff, v5, v8  }
0x73: {  	(xrf1) =	vsort.dscd.msk.f32 @p1 $0xffff, v6, v7;
	_ =	sdelay $0xc  }
0x74: {  	v5 =	vld [tilespmem:s16+$0x0];
	v6, v7, _ =	vpop @p2 (xrf1)  }
0x75: {  	v3 =	vpsel p2, v6, v3;
	v6, v8, _ =	vpop @p1 (xrf1)  }
0x76: {  	v4 =	vpsel p2, v7, v4;
	vm0 =	vlt.f32 @p1 v3, v6  }
0x77: {  	s18 =	sadd.s32 $0x20, s14;
	v7 =	vsel @p1 vm0, v3, v6;
	v9 =	vsel @p1 vm0, v4, v8  }
0x78: {  	v10 =	vor.u32 s18, v0;
	(xrf1) =	vsort.ascd.msk.f32 @p1 $0xffff, v7, v9  }
0x79: {  	(xrf1) =	vsort.dscd.msk.f32 $0xffff, v5, v10;
	_ =	sdelay $0xc  }
0x7a: {  	v5, v7, _ =	vpop @p1 (xrf1)  }
0x7b: {  	v2 =	vpsel p1, v7, v2;
	(v2sf) =	vpush @p1 v5, $0x0;
	v7, v9, _ =	vpop (xrf1)  }
0x7c: {  	(v2sf) =	vpush v7, $0x0;
	_ =	sdelay $0xd  }
0x7d: {  	s18 =	spop @p1 (v2sf)  }
0x7e: {  	s17 =	smov.u32 @p1 s18;
	s18 =	spop (v2sf)  }
0x7f: {  	p2 =	sgt.f32 s18, s17  }
0x80: {  	v1 =	vpsel p1, v5, v1  }
0x81: {  	v5 =	vsel @p1 vm0, v6, v3;
	v6 =	vsel @p1 vm0, v8, v4;
	vm0 =	vlt.f32 @p2 v1, v7  }
0x82: {  	v7 =	vsel @p2 vm0, v7, v1;
	v8 =	vsel @p2 vm0, v9, v2;
	(xrf1) =	vsort.ascd.msk.f32 @p1 $0xffff, v5, v6  }
0x83: {  	(xrf1) =	vsort.dscd.msk.f32 @p2 $0xffff, v7, v8;
	_ =	sdelay $0x9  }
0x84: {  	v5 =	vld [tilespmem:s16+$0x10];
	_ =	sdelay $0x2  }
0x85: {  	s18 =	sadd.s32 $0x30, s14;
	v6, v7, _ =	vpop @p1 (xrf1)  }
0x86: {  	v3 =	vpsel p1, v6, v3;
	v6 =	vor.u32 s18, v0;
	v8, v9, _ =	vpop @p2 (xrf1)  }
0x87: {  	v4 =	vpsel p1, v7, v4;
	vm0 =	vlt.f32 @p2 v3, v8;
	(xrf1) =	vsort.dscd.msk.f32 $0xffff, v5, v6  }
0x88: {  	v5 =	vsel @p2 vm0, v9, v4;
	v6 =	vsel @p2 vm0, v3, v8;
	v7 =	vsel @p2 vm0, v4, v9  }
0x89: {  	v8 =	vsel @p2 vm0, v8, v3;
	(xrf1) =	vsort.ascd.msk.f32 @p2 $0xffff, v6, v7  }
0x8a: {  	(xrf1) =	vsort.ascd.msk.f32 @p2 $0xffff, v8, v5;
	_ =	sdelay $0xa  }
0x8b: {  	v5, v6, _ =	vpop (xrf1);
	_ =	sdelay $0x1  }
0x8c: {  	v7, v8, _ =	vpop @p2 (xrf1)  }
0x8d: {  	v1 =	vpsel p2, v7, v1;
	v2 =	vpsel p2, v8, v2;
	v8, v9, _ =	vpop @p2 (xrf1);
	(v2sf) =	vpush @p2 v7, $0x0  }
0x8e: {  	v3 =	vpsel p2, v8, v3;
	v4 =	vpsel p2, v9, v4;
	(v2sf) =	vpush v5, $0x0;
	_ =	sdelay $0xd  }
0x8f: {  	s18 =	spop @p2 (v2sf)  }
0x90: {  	s17 =	smov.u32 @p2 s18;
	s18 =	spop (v2sf)  }
0x91: {  	p1 =	sgt.f32 s18, s17;
	_ =	sdelay $0x1  }
0x92: {  	vm0 =	vlt.f32 @p1 v1, v5  }
0x93: {  	v5 =	vsel @p1 vm0, v5, v1;
	v6 =	vsel @p1 vm0, v6, v2  }
0x94: {  	(xrf1) =	vsort.dscd.msk.f32 @p1 $0xffff, v5, v6;
	_ =	sdelay $0x4  }
.Ltmp0:
0x95: {  	(pc) =	sbr.rel @p0 .LBB2_3-.Ltmp0, $2  }
0x96: {  	_ =	sdelay $0x2  }
0x97: {  	s16 =	sadd.s32 $0x40, s16  }
0x98: {  	_ =	sdelay $0x3  }
0x99: {  	v5, v6, _ =	vpop @p1 (xrf1)  }
0x9a: {  	vm0 =	vlt.f32 @p1 v3, v5  }
0x9b: {  	v7 =	vsel @p1 vm0, v3, v5;
	v8 =	vsel @p1 vm0, v4, v6  }
0x9c: {  	v6 =	vsel @p1 vm0, v6, v4;
	v5 =	vsel @p1 vm0, v5, v3;
	(xrf1) =	vsort.ascd.msk.f32 @p1 $0xffff, v7, v8  }
0x9d: {  	(xrf1) =	vsort.ascd.msk.f32 @p1 $0xffff, v5, v6;
	_ =	sdelay $0xc  }
0x9e: {  	v5, v6, _ =	vpop @p1 (xrf1)  }
0x9f: {  	v7, v8, _ =	vpop @p1 (xrf1)  }
0xa0: {  	v3 =	vpsel p1, v7, v3;
	v63 =	vpsel p1, v8, v4  }
0xa1: {  	(xrf1) =	vsort.dscd.msk.f32 $0xffff, v3, v63  }
0xa2: {  	v1 =	vpsel p1, v5, v1;
	v2 =	vpsel p1, v6, v2  }
0xa3: {  	(xrf1) =	vsort.dscd.msk.f32 $0xffff, v1, v2;
	_ =	sdelay $0xb  }
0xa4: {  	v1, v2, _ =	vpop (xrf1)  }
0xa5: {  	[tilespmem:$0x800] =	vst v1  }
0xa6: {  	v3, v4, _ =	vpop (xrf1);
	[tilespmem:$0x880] =	vst v2  }
0xa7: {  	s13 =	sshll.u32 s13, $0x2;
	[tilespmem:$0x810] =	vst v3  }
0xa8: {  	s14 =	sadd.s32 s1, s13;
	[tilespmem:$0x890] =	vst v4  }
0xa9: {  	[hbm4b:s14+s3] =	stream.linear.scatter [tilespmem:s9], [sflag:$0x1], $0x20, $0x38;
	[tilespmem:$0x900] =	vst v63  }
0xaa: {  	s12 =	sadd.s32 $0x1, s12;
	_ =	swait.ge [sflag:s8], $0x20  }
0xab: {  	p0 =	sne.s32 s12, $0x4;
	[sflag:s8] =	ssyncset.done $0x0  }
.Ltmp1:
0xac: {  	s13 =	sadd.s32 s2, s13;
	[sflag:s8] =	ssyncadd.s32 $0xFFFFFFE0;
	(pc) =	sbr.rel @p0 .LBB2_2-.Ltmp1, $4  }
0xad: {  	[hbm4b:s13+s3] =	stream.linear.scatter [tilespmem:s10], [sflag:$0x1], $0x20, $0x38;
	[tilespmem:$0x900] =	vst v63  }
0xae: {  	_ =	swait.ge [sflag:s8], $0x20  }
0xaf: {  	[sflag:s8] =	ssyncset.done $0x0  }
0xb0: {  	[sflag:s8] =	ssyncadd.s32 $0xFFFFFFE0  }
0xb1: {  	s11 =	sadd.s32 $0x1, s11  }
0xb2: {  	p0 =	sne.s32 s11, s7  }
.Ltmp2:
0xb3: {  	_ = 	snop;
	(pc) =	sbr.rel @p0 .LBB2_1-.Ltmp2, $1  }
0xb4: {  	_ =	sdelay $0x3  }
0xb5: {  	_ =	sfence.sel $0x180000  }
0xb6: {  	[bflag:$0x0] =	sbarrier.arrive $0xFFFF  }
0xb7: {  	p0 =	sne.s32 s4, $0x0;
	_ =	strace $0x9000004A  }
0xb8: {  	s0 =	sadd.s32 @!p0 $0x100000, s0;
	[bflag:$0x2] =	sbarrier.arrive $0xFFFF  }
0xb9: {  	[sflag:s0] =	ssyncadd.tile.s32 @!p0 $0x1;
	_ =	shalt  }
.Lfunc_end2:
_tile_overlayer_lowered:
.L_overlay_start_2:
0xba: {  	(tag) =	ssettag $0x2  }
0xbb: {  	s0 =	rddreg [dreg:$0x0];
	s2 =	stileid.u32  }
0xbc: {  	s1 =	rddreg [dreg:$0x1];
	p0 =	sne.s32 s2, $0x0  }
0xbd: {  	s3 =	rddreg [dreg:$0x2];
	[bflag:$0x3] =	sbarrier.arrive $0xFFFF;
	s2 =	simm.s32 @!p0 $0x1C01  }
0xbe: {  	[timem:s3], [sflag:s2] =	dma.local @!p0 [hbm:s0], s1  }
0xbf: {  	s0 =	simm.s32 @!p0 $0x1  }
0xc0: {  	_ =	swait.ge @!p0 [sflag:s0], s1  }
0xc1: {  	s1 =	ssub.s32 @!p0 $0x0, s1;
	[sflag:s0] =	ssyncset.done @!p0 $0x0  }
0xc2: {  	[sflag:s0] =	ssyncadd.s32 @!p0 s1  }
0xc3: {  	[bflag:$0x3] =	sbarrier.arrive $0xFFFF  }
0xc4: {  	_ =	shalt  }

</sc_bundles>
